<compile_context>
chip_gen: v7x
topology: tpu7x:2x2x1
jax: 0.10.2.dev20260603
libtpu: 0.0.44.dev20260713+nightly
codegen_flags: <defaults>
</compile_context>

<pallas_src>
import functools

import jax
import jax.numpy as jnp
from jax import lax
from jax.experimental import pallas as pl
from jax.experimental.pallas import tpu as pltpu, tpu_sc as plsc

N = 10000
E = 320000
D = 128
H = 128

NC = 2
NS = 16
NW = NC * NS
CHUNK = 128
NCHUNKS = E // CHUNK
NSMALL = 28
CPW_LO = NCHUNKS // NW
CPW_HI = CPW_LO + 1
KB = 6
GROUPS = 78 // KB
NPAD = 10240
ROWS_PER_TILE = NPAD // NS
VPC = CHUNK // 16
RC = 2000
CG = N // RC


def _sc_segment_sum(x_bf, src_c, dst_c):
    mesh = plsc.VectorSubcoreMesh(
        core_axis_name="c", subcore_axis_name="s", num_cores=NC, num_subcores=NS
    )

    @functools.partial(
        pl.kernel,
        out_type=(
            jax.ShapeDtypeStruct((NC, NPAD, D), jnp.bfloat16),
            jax.ShapeDtypeStruct((CG, NW, RC), jnp.float32),
        ),
        mesh=mesh,
        compiler_params=pltpu.CompilerParams(needs_layout_passes=False,
                                             use_tc_tiling_on_sc=False),
        scratch_types=[
            pltpu.VMEM((CPW_HI, CHUNK), jnp.int32),
            pltpu.VMEM((CPW_HI, CHUNK), jnp.int32),
            [pltpu.VMEM((CHUNK, D), jnp.bfloat16)] * KB,
            pltpu.VMEM((CHUNK, D), jnp.bfloat16),
            pltpu.VMEM((NPAD,), jnp.float32),
            pltpu.VMEM_SHARED((NPAD, D), jnp.bfloat16),
            [pltpu.SemaphoreType.DMA] * KB,
        ],
    )
    def seg_kernel(x_hbm, src_hbm, dst_hbm, sum_out, cnt_out,
                   src_v, dst_v, bufs, zbuf, cnt_v, acc_sh, sems):
        c = lax.axis_index("c")
        s = lax.axis_index("s")
        wid = c * NS + s
        base = s * ROWS_PER_TILE
        is_big = (wid >= NSMALL).astype(jnp.int32)
        nw = CPW_LO + is_big
        start = jnp.where(is_big == 1,
                          NSMALL * CPW_LO + CPW_HI * (wid - NSMALL),
                          CPW_LO * wid)

        pltpu.sync_copy(src_hbm.at[pl.ds(start, CPW_HI)], src_v)
        pltpu.sync_copy(dst_hbm.at[pl.ds(start, CPW_HI)], dst_v)

        z32b = jnp.zeros((32,), jnp.bfloat16)

        def zero_zbuf(i, _):
            zbuf[i // (D // 32), pl.ds((i % (D // 32)) * 32, 32)] = z32b
            return 0
        lax.fori_loop(0, CHUNK * (D // 32), zero_zbuf, 0)

        z16 = jnp.zeros((16,), jnp.float32)

        def zero_cnt(i, _):
            cnt_v[pl.ds(i * 16, 16)] = z16
            return 0
        lax.fori_loop(0, NPAD // 16, zero_cnt, 0)

        for k in range(ROWS_PER_TILE // CHUNK):
            pltpu.sync_copy(zbuf, acc_sh.at[pl.ds(base + k * CHUNK, CHUNK)])

        plsc.subcore_barrier()

        ones16 = jnp.ones((16,), jnp.float32)

        def hist_chunk(j):
            for v in range(VPC):
                idx = dst_v[j, pl.ds(v * 16, 16)]
                plsc.addupdate_scatter(cnt_v, [idx], ones16)

        for b in range(KB):
            pltpu.async_copy(x_hbm.at[src_v.at[b]], bufs[b], sems[b])

        def outer(gg, _):
            j0 = gg * KB
            for b in range(KB):
                hist_chunk(j0 + b)
                pltpu.make_async_copy(
                    x_hbm.at[src_v.at[j0 + b]], bufs[b], sems[b]).wait()
                pltpu.sync_copy(bufs[b], acc_sh.at[dst_v.at[j0 + b]], add=True)
                pltpu.async_copy(x_hbm.at[src_v.at[j0 + KB + b]], bufs[b],
                                 sems[b])
            return 0
        lax.fori_loop(0, GROUPS - 1, outer, 0)

        j0 = (GROUPS - 1) * KB
        for b in range(KB):
            hist_chunk(j0 + b)
            pltpu.make_async_copy(
                x_hbm.at[src_v.at[j0 + b]], bufs[b], sems[b]).wait()
            pltpu.sync_copy(bufs[b], acc_sh.at[dst_v.at[j0 + b]], add=True)

        def tail(j, _):
            for v in range(VPC):
                idx = dst_v[j, pl.ds(v * 16, 16)]
                plsc.addupdate_scatter(cnt_v, [idx], ones16)
            pltpu.async_copy(x_hbm.at[src_v.at[j]], bufs[0], sems[0])
            pltpu.make_async_copy(x_hbm.at[src_v.at[j]], bufs[0], sems[0]).wait()
            pltpu.sync_copy(bufs[0], acc_sh.at[dst_v.at[j]], add=True)
            return 0
        lax.fori_loop(GROUPS * KB, nw, tail, 0)

        for g in range(CG):
            pltpu.sync_copy(cnt_v.at[pl.ds(g * RC, RC)], cnt_out.at[g, wid])

        plsc.subcore_barrier()

        pltpu.sync_copy(acc_sh.at[pl.ds(base, ROWS_PER_TILE)],
                        sum_out.at[c, pl.ds(base, ROWS_PER_TILE)])

    return seg_kernel(x_bf, src_c, dst_c)


def _tc_combine(x, sums, cnts, rr, W_l, W_r, W_sT, b_l2, misc):

    def body(x_ref, sum_ref, cnt_ref, rr_ref, wl_ref, wr_ref, ws_ref,
             bl_ref, misc_ref, out_ref):
        x = x_ref[...]
        agg = (sum_ref[0].astype(jnp.float32)
               + sum_ref[1].astype(jnp.float32))
        cnt = jnp.sum(cnt_ref[0], axis=0).reshape(RC, 1)
        mean = agg / jnp.maximum(cnt, 1.0)
        z = (lax.dot_general(mean, wl_ref[...], (((1,), (1,)), ((), ())),
                             preferred_element_type=jnp.float32)
             + bl_ref[...]
             + lax.dot_general(x, wr_ref[...], (((1,), (1,)), ((), ())),
                               preferred_element_type=jnp.float32))
        h = jnp.maximum(z, 0.0) + x
        gnn = lax.dot_general(h, ws_ref[...], (((1,), (0,)), ((), ())),
                              preferred_element_type=jnp.float32)
        b_s = misc_ref[0, 0]
        a = 1.0 / (1.0 + jnp.exp(-misc_ref[0, 1]))
        out_ref[...] = a * rr_ref[...] + (1.0 - a) * (gnn + b_s)

    return pl.pallas_call(
        body,
        grid=(CG,),
        in_specs=[
            pl.BlockSpec((RC, D), lambda i: (i, 0)),
            pl.BlockSpec((NC, RC, D), lambda i: (0, i, 0)),
            pl.BlockSpec((1, NW, RC), lambda i: (i, 0, 0)),
            pl.BlockSpec((RC, 1), lambda i: (i, 0)),
            pl.BlockSpec((H, D), lambda i: (0, 0)),
            pl.BlockSpec((H, D), lambda i: (0, 0)),
            pl.BlockSpec((H, 1), lambda i: (0, 0)),
            pl.BlockSpec((1, H), lambda i: (0, 0)),
            pl.BlockSpec((1, 2), lambda i: (0, 0)),
        ],
        out_specs=pl.BlockSpec((RC, 1), lambda i: (i, 0)),
        out_shape=jax.ShapeDtypeStruct((N, 1), jnp.float32),
    )(x, sums, cnts, rr, W_l, W_r, W_sT, b_l2, misc)


def kernel(x, edge_index, reranker_scores, W_l, b_l, W_r, W_s, b_s, alpha):
    x_bf = x.astype(jnp.bfloat16)
    src_c = edge_index[0].reshape(NCHUNKS, CHUNK)
    dst_c = edge_index[1].reshape(NCHUNKS, CHUNK)
    sums, cnts = _sc_segment_sum(x_bf, src_c, dst_c)
    misc = jnp.stack([b_s[0], alpha]).reshape(1, 2)
    out = _tc_combine(x, sums, cnts, reranker_scores.reshape(N, 1), W_l, W_r,
                      W_s.reshape(H, 1), b_l.reshape(1, H), misc)
    return out[:, 0]

# --- scband reference (transcript-rebuilt; emitter-appended) ---
"""Pipeline reference for scband-sageresidual-reranker-48885317763305 (READ-ONLY COPY).

The authoritative reference and input builder live on the scoring server;
editing this copy changes nothing except your own understanding.
"""

import jax, jax.numpy as jnp
import numpy as np

N = 10000
E = 320000
D = 128
H = 128


def setup_inputs(seed: int = 0) -> dict:
    key = jax.random.key(seed)
    ks = jax.random.split(key, 8)
    x = jax.random.normal(ks[0], (N, D), dtype=jnp.float32)
    edge_index = jax.random.randint(ks[1], (2, E), 0, N, dtype=jnp.int32)
    reranker_scores = jax.random.normal(ks[2], (N,), dtype=jnp.float32)
    # SAGEConv params: lin_l (neighbor aggregation path, with bias), lin_r (root path, no bias)
    W_l = jax.random.normal(ks[3], (H, D), dtype=jnp.float32) * 0.05
    b_l = jnp.zeros((H,), dtype=jnp.float32)
    W_r = jax.random.normal(ks[4], (H, D), dtype=jnp.float32) * 0.05
    # score head
    W_s = jax.random.normal(ks[5], (1, H), dtype=jnp.float32) * 0.05
    b_s = jnp.zeros((1,), dtype=jnp.float32)
    alpha = jnp.asarray(0.65, dtype=jnp.float32)
    return {"x": x, "edge_index": edge_index, "reranker_scores": reranker_scores,
            "W_l": W_l, "b_l": b_l, "W_r": W_r, "W_s": W_s, "b_s": b_s, "alpha": alpha}


def _sage_conv(x, edge_index, W_l, b_l, W_r):
    src = edge_index[0]
    dst = edge_index[1]
    msg = jnp.take(x, src, axis=0)  # gather source node features per edge
    summed = jax.ops.segment_sum(msg, dst, num_segments=N)  # scatter-add to dst
    cnt = jax.ops.segment_sum(jnp.ones((E,), dtype=x.dtype), dst, num_segments=N)
    mean_aggr = summed / jnp.clip(cnt, 1.0, None)[:, None]
    return mean_aggr @ W_l.T + b_l + x @ W_r.T


def reference(x, edge_index, reranker_scores, W_l, b_l, W_r, W_s, b_s, alpha):
    # residual_proj is None since input_dim == hidden_dim
    h_in = x
    h = x
    h = jax.nn.relu(_sage_conv(h, edge_index, W_l, b_l, W_r))
    # dropout is identity in eval mode
    h = h + h_in
    gnn_scores = (h @ W_s.T + b_s).squeeze(-1)
    a = jax.nn.sigmoid(alpha)
    return a * reranker_scores + (1.0 - a) * gnn_scores

if __name__ == "__main__":
    import jax
    _d = setup_inputs()
    print(jax.jit(kernel)(*tuple(_d.values())))

</pallas_src>

<mosaic_0001>
#map = affine_map<(d0, d1) -> (0, 0)>
#map1 = affine_map<(d0, d1) -> (0, 0, 0)>
module attributes {stable_mosaic.version = 14 : i64} {
  func.func @seg_kernel(%arg0: i32, %arg1: i32, %arg2: memref<10000x128xbf16, #tpu.memory_space<hbm>>, %arg3: memref<2500x128xi32, #tpu.memory_space<hbm>>, %arg4: memref<2500x128xi32, #tpu.memory_space<hbm>>, %arg5: memref<2x10240x128xbf16, #tpu.memory_space<hbm>>, %arg6: memref<5x32x2000xf32, #tpu.memory_space<hbm>>, %arg7: memref<79x128xi32, #tpu.memory_space<vmem>>, %arg8: memref<79x128xi32, #tpu.memory_space<vmem>>, %arg9: memref<128x128xbf16, #tpu.memory_space<vmem>>, %arg10: memref<128x128xbf16, #tpu.memory_space<vmem>>, %arg11: memref<128x128xbf16, #tpu.memory_space<vmem>>, %arg12: memref<128x128xbf16, #tpu.memory_space<vmem>>, %arg13: memref<128x128xbf16, #tpu.memory_space<vmem>>, %arg14: memref<128x128xbf16, #tpu.memory_space<vmem>>, %arg15: memref<128x128xbf16, #tpu.memory_space<vmem>>, %arg16: memref<10240xf32, #tpu.memory_space<vmem>>, %arg17: memref<10240x128xbf16, #tpu.memory_space<vmem_shared>>, %arg18: memref<!tpu.dma_semaphore, #tpu.memory_space<semaphore_mem>>, %arg19: memref<!tpu.dma_semaphore, #tpu.memory_space<semaphore_mem>>, %arg20: memref<!tpu.dma_semaphore, #tpu.memory_space<semaphore_mem>>, %arg21: memref<!tpu.dma_semaphore, #tpu.memory_space<semaphore_mem>>, %arg22: memref<!tpu.dma_semaphore, #tpu.memory_space<semaphore_mem>>, %arg23: memref<!tpu.dma_semaphore, #tpu.memory_space<semaphore_mem>>) attributes {dimension_semantics = [#tpu.dimension_semantics<core_parallel>, #tpu.dimension_semantics<subcore_parallel>], iteration_bounds = array<i64: 2, 16>, scalar_prefetch = 0 : i64, scratch_operands = 17 : i64, tpu.core_type = #tpu.core_type<sc_vector_subcore>, window_params = [{transform_indices = #map}, {transform_indices = #map}, {transform_indices = #map}, {transform_indices = #map1}, {transform_indices = #map1}]} {
    %mul3A = arith.constant 16 : i32
    %mul3A_0 = arith.muli %arg0, %mul3A : i32
    %add3A = arith.addi %mul3A_0, %arg1 : i32
    %mul3A_1 = arith.constant 640 : i32
    %mul3A_2 = arith.muli %arg1, %mul3A_1 : i32
    %ge3A = arith.constant 28 : i32
    %ge3A_3 = arith.cmpi sge, %add3A, %ge3A : i32
    %convert_element_type3A = arith.extui %ge3A_3 : i1 to i32
    %add3A_4 = arith.constant 78 : i32
    %add3A_5 = arith.addi %add3A_4, %convert_element_type3A : i32
    %eq3A = arith.constant 1 : i32
    %eq3A_6 = arith.cmpi eq, %convert_element_type3A, %eq3A : i32
    %sub3A = arith.constant 28 : i32
    %sub3A_7 = arith.subi %add3A, %sub3A : i32
    %mul3A_8 = arith.constant 79 : i32
    %mul3A_9 = arith.muli %mul3A_8, %sub3A_7 : i32
    %add3A_10 = arith.constant 2184 : i32
    %add3A_11 = arith.addi %add3A_10, %mul3A_9 : i32
    %mul3A_12 = arith.constant 78 : i32
    %mul3A_13 = arith.muli %mul3A_12, %add3A : i32
    %select_n3A = arith.select %eq3A_6, %add3A_11, %mul3A_13 : i32
    "tpu.region"() ({
      %run_scoped3A_344 = tpu.sem_alloc : memref<!tpu.dma_semaphore, #tpu.memory_space<semaphore_mem>>
      %dma_start3A_345 = arith.constant 0 : i32
      %dma_start3A_346 = tpu.memref_slice %arg3[%select_n3A, %dma_start3A_345] : memref<2500x128xi32, #tpu.memory_space<hbm>> -> memref<79x128xi32, #tpu.memory_space<hbm>>
      %dma_start3A_347 = arith.constant 0 : i32
      %dma_start3A_348 = tpu.memref_slice %arg3[%select_n3A, %dma_start3A_347] : memref<2500x128xi32, #tpu.memory_space<hbm>> -> memref<79x128xi32, #tpu.memory_space<hbm>>
      tpu.enqueue_dma source(%dma_start3A_348 : memref<79x128xi32, #tpu.memory_space<hbm>>) target(%arg7 : memref<79x128xi32, #tpu.memory_space<vmem>>) target_semaphore(%run_scoped3A_344 : memref<!tpu.dma_semaphore, #tpu.memory_space<semaphore_mem>>)
      %dma_wait3A_349 = arith.constant 0 : i32
      %dma_wait3A_350 = tpu.memref_slice %arg3[%select_n3A, %dma_wait3A_349] : memref<2500x128xi32, #tpu.memory_space<hbm>> -> memref<79x128xi32, #tpu.memory_space<hbm>>
      %dma_wait3A_351 = arith.constant 0 : i32
      %dma_wait3A_352 = tpu.memref_slice %arg3[%select_n3A, %dma_wait3A_351] : memref<2500x128xi32, #tpu.memory_space<hbm>> -> memref<79x128xi32, #tpu.memory_space<hbm>>
      tpu.wait_dma2 semaphore(%run_scoped3A_344 : memref<!tpu.dma_semaphore, #tpu.memory_space<semaphore_mem>>) src(%dma_wait3A_352 : memref<79x128xi32, #tpu.memory_space<hbm>>) dst(%arg7 : memref<79x128xi32, #tpu.memory_space<vmem>>)
      tpu.yield
    }) : () -> ()
    "tpu.region"() ({
      %run_scoped3A_344 = tpu.sem_alloc : memref<!tpu.dma_semaphore, #tpu.memory_space<semaphore_mem>>
      %dma_start3A_345 = arith.constant 0 : i32
      %dma_start3A_346 = tpu.memref_slice %arg4[%select_n3A, %dma_start3A_345] : memref<2500x128xi32, #tpu.memory_space<hbm>> -> memref<79x128xi32, #tpu.memory_space<hbm>>
      %dma_start3A_347 = arith.constant 0 : i32
      %dma_start3A_348 = tpu.memref_slice %arg4[%select_n3A, %dma_start3A_347] : memref<2500x128xi32, #tpu.memory_space<hbm>> -> memref<79x128xi32, #tpu.memory_space<hbm>>
      tpu.enqueue_dma source(%dma_start3A_348 : memref<79x128xi32, #tpu.memory_space<hbm>>) target(%arg8 : memref<79x128xi32, #tpu.memory_space<vmem>>) target_semaphore(%run_scoped3A_344 : memref<!tpu.dma_semaphore, #tpu.memory_space<semaphore_mem>>)
      %dma_wait3A_349 = arith.constant 0 : i32
      %dma_wait3A_350 = tpu.memref_slice %arg4[%select_n3A, %dma_wait3A_349] : memref<2500x128xi32, #tpu.memory_space<hbm>> -> memref<79x128xi32, #tpu.memory_space<hbm>>
      %dma_wait3A_351 = arith.constant 0 : i32
      %dma_wait3A_352 = tpu.memref_slice %arg4[%select_n3A, %dma_wait3A_351] : memref<2500x128xi32, #tpu.memory_space<hbm>> -> memref<79x128xi32, #tpu.memory_space<hbm>>
      tpu.wait_dma2 semaphore(%run_scoped3A_344 : memref<!tpu.dma_semaphore, #tpu.memory_space<semaphore_mem>>) src(%dma_wait3A_352 : memref<79x128xi32, #tpu.memory_space<hbm>>) dst(%arg8 : memref<79x128xi32, #tpu.memory_space<vmem>>)
      tpu.yield
    }) : () -> ()
    %broadcast_in_dim3A = arith.constant 0.000000e+00 : bf16
    %broadcast_in_dim3A_14 = vector.broadcast %broadcast_in_dim3A : bf16 to vector<32xbf16>
    %scan3A = arith.constant 0 : i32
    %scan3A_15 = arith.constant 0 : i32
    %scan3A_16 = arith.constant 512 : i32
    %scan3A_17 = arith.addi %scan3A_15, %scan3A_16 : i32
    %scan3A_18 = arith.constant 1 : i32
    %scan3A_19 = scf.for %scan3A_344 = %scan3A_15 to %scan3A_17 step %scan3A_18 iter_args(%scan3A_345 = %scan3A) -> (i32)  : i32 {
      %jit3A = arith.constant 4 : i32
      %div3A = arith.divsi %scan3A_344, %jit3A : i32
      %sign3A = arith.constant 0 : i32
      %sign3A_346 = arith.cmpi sgt, %scan3A_344, %sign3A : i32
      %sign3A_347 = arith.extui %sign3A_346 : i1 to i32
      %sign3A_348 = arith.constant 0 : i32
      %sign3A_349 = arith.cmpi slt, %scan3A_344, %sign3A_348 : i32
      %sign3A_350 = arith.extui %sign3A_349 : i1 to i32
      %sign3A_351 = arith.subi %sign3A_347, %sign3A_350 : i32
      %sign3A_352 = arith.constant 0 : i32
      %sign3A_353 = arith.cmpi sgt, %jit3A, %sign3A_352 : i32
      %sign3A_354 = arith.extui %sign3A_353 : i1 to i32
      %sign3A_355 = arith.constant 0 : i32
      %sign3A_356 = arith.cmpi slt, %jit3A, %sign3A_355 : i32
      %sign3A_357 = arith.extui %sign3A_356 : i1 to i32
      %sign3A_358 = arith.subi %sign3A_354, %sign3A_357 : i32
      %ne3A = arith.cmpi ne, %sign3A_351, %sign3A_358 : i32
      %rem3A = arith.remsi %scan3A_344, %jit3A : i32
      %ne3A_359 = arith.constant 0 : i32
      %ne3A_360 = arith.cmpi ne, %rem3A, %ne3A_359 : i32
      %and3A = arith.andi %ne3A, %ne3A_360 : i1
      %sub3A_361 = arith.constant 1 : i32
      %sub3A_362 = arith.subi %div3A, %sub3A_361 : i32
      %select_n3A_363 = arith.select %and3A, %sub3A_362, %div3A : i32
      %jit3A_364 = arith.constant 4 : i32
      %eq3A_365 = arith.constant 0 : i32
      %eq3A_366 = arith.cmpi eq, %jit3A_364, %eq3A_365 : i32
      %jit3A_367 = arith.constant 1 : i32
      %select_n3A_368 = arith.select %eq3A_366, %jit3A_367, %jit3A_364 : i32
      %rem3A_369 = arith.remsi %scan3A_344, %select_n3A_368 : i32
      %ne3A_370 = arith.constant 0 : i32
      %ne3A_371 = arith.cmpi ne, %rem3A_369, %ne3A_370 : i32
      %lt3A = arith.constant 0 : i32
      %lt3A_372 = arith.cmpi slt, %rem3A_369, %lt3A : i32
      %lt3A_373 = arith.constant 0 : i32
      %lt3A_374 = arith.cmpi slt, %select_n3A_368, %lt3A_373 : i32
      %ne3A_375 = arith.xori %lt3A_372, %lt3A_374 : i1
      %and3A_376 = arith.andi %ne3A_375, %ne3A_371 : i1
      %add3A_377 = arith.addi %rem3A_369, %select_n3A_368 : i32
      %select_n3A_378 = arith.select %and3A_376, %add3A_377, %rem3A_369 : i32
      %mul3A_379 = arith.constant 32 : i32
      %mul3A_380 = arith.muli %select_n3A_378, %mul3A_379 : i32
      %swap3A = arith.index_cast %select_n3A_363 : i32 to index
      %swap3A_381 = arith.index_cast %mul3A_380 : i32 to index
      %swap3A_382 = tpu.vector_load %arg15[%swap3A, %swap3A_381] {strides = array<i32>} : memref<128x128xbf16, #tpu.memory_space<vmem>>, vector<32xbf16>,
      tpu.vector_store %arg15[%swap3A, %swap3A_381], %broadcast_in_dim3A_14 {strides = array<i32>} : memref<128x128xbf16, #tpu.memory_space<vmem>>, vector<32xbf16>,
      %scan3A_383 = arith.constant 0 : i32
      scf.yield %scan3A_383 : i32
    }
    %scan3A_20 = arith.constant 512 : i32
    %broadcast_in_dim3A_21 = arith.constant 0.000000e+00 : f32
    %broadcast_in_dim3A_22 = vector.broadcast %broadcast_in_dim3A_21 : f32 to vector<16xf32>
    %scan3A_23 = arith.constant 0 : i32
    %scan3A_24 = arith.constant 0 : i32
    %scan3A_25 = arith.constant 640 : i32
    %scan3A_26 = arith.addi %scan3A_24, %scan3A_25 : i32
    %scan3A_27 = arith.constant 1 : i32
    %scan3A_28 = scf.for %scan3A_344 = %scan3A_24 to %scan3A_26 step %scan3A_27 iter_args(%scan3A_345 = %scan3A_23) -> (i32)  : i32 {
      %mul3A_346 = arith.constant 16 : i32
      %mul3A_347 = arith.muli %scan3A_344, %mul3A_346 : i32
      %swap3A = arith.index_cast %mul3A_347 : i32 to index
      %swap3A_348 = tpu.vector_load %arg16[%swap3A] {strides = array<i32>} : memref<10240xf32, #tpu.memory_space<vmem>>, vector<16xf32>,
      tpu.vector_store %arg16[%swap3A], %broadcast_in_dim3A_22 {strides = array<i32>} : memref<10240xf32, #tpu.memory_space<vmem>>, vector<16xf32>,
      %scan3A_349 = arith.constant 0 : i32
      scf.yield %scan3A_349 : i32
    }
    %scan3A_29 = arith.constant 640 : i32
    %add3A_30 = arith.constant 0 : i32
    %add3A_31 = arith.addi %mul3A_2, %add3A_30 : i32
    "tpu.region"() ({
      %run_scoped3A_344 = tpu.sem_alloc : memref<!tpu.dma_semaphore, #tpu.memory_space<semaphore_mem>>
      %dma_start3A_345 = arith.constant 0 : i32
      %dma_start3A_346 = tpu.memref_slice %arg17[%add3A_31, %dma_start3A_345] : memref<10240x128xbf16, #tpu.memory_space<vmem_shared>> -> memref<128x128xbf16, #tpu.memory_space<vmem_shared>>
      %dma_start3A_347 = arith.constant 0 : i32
      %dma_start3A_348 = tpu.memref_slice %arg17[%add3A_31, %dma_start3A_347] : memref<10240x128xbf16, #tpu.memory_space<vmem_shared>> -> memref<128x128xbf16, #tpu.memory_space<vmem_shared>>
      tpu.enqueue_dma source(%arg15 : memref<128x128xbf16, #tpu.memory_space<vmem>>) target(%dma_start3A_348 : memref<128x128xbf16, #tpu.memory_space<vmem_shared>>) target_semaphore(%run_scoped3A_344 : memref<!tpu.dma_semaphore, #tpu.memory_space<semaphore_mem>>)
      %dma_wait3A_349 = arith.constant 0 : i32
      %dma_wait3A_350 = tpu.memref_slice %arg17[%add3A_31, %dma_wait3A_349] : memref<10240x128xbf16, #tpu.memory_space<vmem_shared>> -> memref<128x128xbf16, #tpu.memory_space<vmem_shared>>
      %dma_wait3A_351 = arith.constant 0 : i32
      %dma_wait3A_352 = tpu.memref_slice %arg17[%add3A_31, %dma_wait3A_351] : memref<10240x128xbf16, #tpu.memory_space<vmem_shared>> -> memref<128x128xbf16, #tpu.memory_space<vmem_shared>>
      tpu.wait_dma2 semaphore(%run_scoped3A_344 : memref<!tpu.dma_semaphore, #tpu.memory_space<semaphore_mem>>) src(%arg15 : memref<128x128xbf16, #tpu.memory_space<vmem>>) dst(%dma_wait3A_352 : memref<128x128xbf16, #tpu.memory_space<vmem_shared>>)
      tpu.yield
    }) : () -> ()
    %add3A_32 = arith.constant 128 : i32
    %add3A_33 = arith.addi %mul3A_2, %add3A_32 : i32
    "tpu.region"() ({
      %run_scoped3A_344 = tpu.sem_alloc : memref<!tpu.dma_semaphore, #tpu.memory_space<semaphore_mem>>
      %dma_start3A_345 = arith.constant 0 : i32
      %dma_start3A_346 = tpu.memref_slice %arg17[%add3A_33, %dma_start3A_345] : memref<10240x128xbf16, #tpu.memory_space<vmem_shared>> -> memref<128x128xbf16, #tpu.memory_space<vmem_shared>>
      %dma_start3A_347 = arith.constant 0 : i32
      %dma_start3A_348 = tpu.memref_slice %arg17[%add3A_33, %dma_start3A_347] : memref<10240x128xbf16, #tpu.memory_space<vmem_shared>> -> memref<128x128xbf16, #tpu.memory_space<vmem_shared>>
      tpu.enqueue_dma source(%arg15 : memref<128x128xbf16, #tpu.memory_space<vmem>>) target(%dma_start3A_348 : memref<128x128xbf16, #tpu.memory_space<vmem_shared>>) target_semaphore(%run_scoped3A_344 : memref<!tpu.dma_semaphore, #tpu.memory_space<semaphore_mem>>)
      %dma_wait3A_349 = arith.constant 0 : i32
      %dma_wait3A_350 = tpu.memref_slice %arg17[%add3A_33, %dma_wait3A_349] : memref<10240x128xbf16, #tpu.memory_space<vmem_shared>> -> memref<128x128xbf16, #tpu.memory_space<vmem_shared>>
      %dma_wait3A_351 = arith.constant 0 : i32
      %dma_wait3A_352 = tpu.memref_slice %arg17[%add3A_33, %dma_wait3A_351] : memref<10240x128xbf16, #tpu.memory_space<vmem_shared>> -> memref<128x128xbf16, #tpu.memory_space<vmem_shared>>
      tpu.wait_dma2 semaphore(%run_scoped3A_344 : memref<!tpu.dma_semaphore, #tpu.memory_space<semaphore_mem>>) src(%arg15 : memref<128x128xbf16, #tpu.memory_space<vmem>>) dst(%dma_wait3A_352 : memref<128x128xbf16, #tpu.memory_space<vmem_shared>>)
      tpu.yield
    }) : () -> ()
    %add3A_34 = arith.constant 256 : i32
    %add3A_35 = arith.addi %mul3A_2, %add3A_34 : i32
    "tpu.region"() ({
      %run_scoped3A_344 = tpu.sem_alloc : memref<!tpu.dma_semaphore, #tpu.memory_space<semaphore_mem>>
      %dma_start3A_345 = arith.constant 0 : i32
      %dma_start3A_346 = tpu.memref_slice %arg17[%add3A_35, %dma_start3A_345] : memref<10240x128xbf16, #tpu.memory_space<vmem_shared>> -> memref<128x128xbf16, #tpu.memory_space<vmem_shared>>
      %dma_start3A_347 = arith.constant 0 : i32
      %dma_start3A_348 = tpu.memref_slice %arg17[%add3A_35, %dma_start3A_347] : memref<10240x128xbf16, #tpu.memory_space<vmem_shared>> -> memref<128x128xbf16, #tpu.memory_space<vmem_shared>>
      tpu.enqueue_dma source(%arg15 : memref<128x128xbf16, #tpu.memory_space<vmem>>) target(%dma_start3A_348 : memref<128x128xbf16, #tpu.memory_space<vmem_shared>>) target_semaphore(%run_scoped3A_344 : memref<!tpu.dma_semaphore, #tpu.memory_space<semaphore_mem>>)
      %dma_wait3A_349 = arith.constant 0 : i32
      %dma_wait3A_350 = tpu.memref_slice %arg17[%add3A_35, %dma_wait3A_349] : memref<10240x128xbf16, #tpu.memory_space<vmem_shared>> -> memref<128x128xbf16, #tpu.memory_space<vmem_shared>>
      %dma_wait3A_351 = arith.constant 0 : i32
      %dma_wait3A_352 = tpu.memref_slice %arg17[%add3A_35, %dma_wait3A_351] : memref<10240x128xbf16, #tpu.memory_space<vmem_shared>> -> memref<128x128xbf16, #tpu.memory_space<vmem_shared>>
      tpu.wait_dma2 semaphore(%run_scoped3A_344 : memref<!tpu.dma_semaphore, #tpu.memory_space<semaphore_mem>>) src(%arg15 : memref<128x128xbf16, #tpu.memory_space<vmem>>) dst(%dma_wait3A_352 : memref<128x128xbf16, #tpu.memory_space<vmem_shared>>)
      tpu.yield
    }) : () -> ()
    %add3A_36 = arith.constant 384 : i32
    %add3A_37 = arith.addi %mul3A_2, %add3A_36 : i32
    "tpu.region"() ({
      %run_scoped3A_344 = tpu.sem_alloc : memref<!tpu.dma_semaphore, #tpu.memory_space<semaphore_mem>>
      %dma_start3A_345 = arith.constant 0 : i32
      %dma_start3A_346 = tpu.memref_slice %arg17[%add3A_37, %dma_start3A_345] : memref<10240x128xbf16, #tpu.memory_space<vmem_shared>> -> memref<128x128xbf16, #tpu.memory_space<vmem_shared>>
      %dma_start3A_347 = arith.constant 0 : i32
      %dma_start3A_348 = tpu.memref_slice %arg17[%add3A_37, %dma_start3A_347] : memref<10240x128xbf16, #tpu.memory_space<vmem_shared>> -> memref<128x128xbf16, #tpu.memory_space<vmem_shared>>
      tpu.enqueue_dma source(%arg15 : memref<128x128xbf16, #tpu.memory_space<vmem>>) target(%dma_start3A_348 : memref<128x128xbf16, #tpu.memory_space<vmem_shared>>) target_semaphore(%run_scoped3A_344 : memref<!tpu.dma_semaphore, #tpu.memory_space<semaphore_mem>>)
      %dma_wait3A_349 = arith.constant 0 : i32
      %dma_wait3A_350 = tpu.memref_slice %arg17[%add3A_37, %dma_wait3A_349] : memref<10240x128xbf16, #tpu.memory_space<vmem_shared>> -> memref<128x128xbf16, #tpu.memory_space<vmem_shared>>
      %dma_wait3A_351 = arith.constant 0 : i32
      %dma_wait3A_352 = tpu.memref_slice %arg17[%add3A_37, %dma_wait3A_351] : memref<10240x128xbf16, #tpu.memory_space<vmem_shared>> -> memref<128x128xbf16, #tpu.memory_space<vmem_shared>>
      tpu.wait_dma2 semaphore(%run_scoped3A_344 : memref<!tpu.dma_semaphore, #tpu.memory_space<semaphore_mem>>) src(%arg15 : memref<128x128xbf16, #tpu.memory_space<vmem>>) dst(%dma_wait3A_352 : memref<128x128xbf16, #tpu.memory_space<vmem_shared>>)
      tpu.yield
    }) : () -> ()
    %add3A_38 = arith.constant 512 : i32
    %add3A_39 = arith.addi %mul3A_2, %add3A_38 : i32
    "tpu.region"() ({
      %run_scoped3A_344 = tpu.sem_alloc : memref<!tpu.dma_semaphore, #tpu.memory_space<semaphore_mem>>
      %dma_start3A_345 = arith.constant 0 : i32
      %dma_start3A_346 = tpu.memref_slice %arg17[%add3A_39, %dma_start3A_345] : memref<10240x128xbf16, #tpu.memory_space<vmem_shared>> -> memref<128x128xbf16, #tpu.memory_space<vmem_shared>>
      %dma_start3A_347 = arith.constant 0 : i32
      %dma_start3A_348 = tpu.memref_slice %arg17[%add3A_39, %dma_start3A_347] : memref<10240x128xbf16, #tpu.memory_space<vmem_shared>> -> memref<128x128xbf16, #tpu.memory_space<vmem_shared>>
      tpu.enqueue_dma source(%arg15 : memref<128x128xbf16, #tpu.memory_space<vmem>>) target(%dma_start3A_348 : memref<128x128xbf16, #tpu.memory_space<vmem_shared>>) target_semaphore(%run_scoped3A_344 : memref<!tpu.dma_semaphore, #tpu.memory_space<semaphore_mem>>)
      %dma_wait3A_349 = arith.constant 0 : i32
      %dma_wait3A_350 = tpu.memref_slice %arg17[%add3A_39, %dma_wait3A_349] : memref<10240x128xbf16, #tpu.memory_space<vmem_shared>> -> memref<128x128xbf16, #tpu.memory_space<vmem_shared>>
      %dma_wait3A_351 = arith.constant 0 : i32
      %dma_wait3A_352 = tpu.memref_slice %arg17[%add3A_39, %dma_wait3A_351] : memref<10240x128xbf16, #tpu.memory_space<vmem_shared>> -> memref<128x128xbf16, #tpu.memory_space<vmem_shared>>
      tpu.wait_dma2 semaphore(%run_scoped3A_344 : memref<!tpu.dma_semaphore, #tpu.memory_space<semaphore_mem>>) src(%arg15 : memref<128x128xbf16, #tpu.memory_space<vmem>>) dst(%dma_wait3A_352 : memref<128x128xbf16, #tpu.memory_space<vmem_shared>>)
      tpu.yield
    }) : () -> ()
    %barrier3A = arith.constant 0 : index
    tpu.barrier barrier_id(%barrier3A)
    %broadcast_in_dim3A_40 = arith.constant 1.000000e+00 : f32
    %broadcast_in_dim3A_41 = vector.broadcast %broadcast_in_dim3A_40 : f32 to vector<16xf32>
    %dma_start3A = arith.constant 0 : i32
    %dma_start3A_42 = arith.constant 0 : i32
    %dma_start3A_43 = tpu.memref_slice %arg7[%dma_start3A, %dma_start3A_42] : memref<79x128xi32, #tpu.memory_space<vmem>> -> memref<1x128xi32, #tpu.memory_space<vmem>>
    %dma_start3A_44 = tpu.memref_squeeze %dma_start3A_43 : memref<1x128xi32, #tpu.memory_space<vmem>> -> memref<128xi32, #tpu.memory_space<vmem>>
    %dma_start3A_45 = arith.constant 0 : i32
    %dma_start3A_46 = arith.constant 0 : i32
    %dma_start3A_47 = tpu.memref_slice %arg2[%dma_start3A_45, %dma_start3A_46] : memref<10000x128xbf16, #tpu.memory_space<hbm>> -> memref<10000x128xbf16, #tpu.memory_space<hbm>>
    tpu.enqueue_indirect_dma source(%dma_start3A_47 : memref<10000x128xbf16, #tpu.memory_space<hbm>>) target(%arg9 : memref<128x128xbf16, #tpu.memory_space<vmem>>) offsets(%dma_start3A_44 : memref<128xi32, #tpu.memory_space<vmem>>) semaphore(%arg18 : memref<!tpu.dma_semaphore, #tpu.memory_space<semaphore_mem>>)
    %dma_start3A_48 = arith.constant 1 : i32
    %dma_start3A_49 = arith.constant 0 : i32
    %dma_start3A_50 = tpu.memref_slice %arg7[%dma_start3A_48, %dma_start3A_49] : memref<79x128xi32, #tpu.memory_space<vmem>> -> memref<1x128xi32, #tpu.memory_space<vmem>>
    %dma_start3A_51 = tpu.memref_squeeze %dma_start3A_50 : memref<1x128xi32, #tpu.memory_space<vmem>> -> memref<128xi32, #tpu.memory_space<vmem>>
    %dma_start3A_52 = arith.constant 0 : i32
    %dma_start3A_53 = arith.constant 0 : i32
    %dma_start3A_54 = tpu.memref_slice %arg2[%dma_start3A_52, %dma_start3A_53] : memref<10000x128xbf16, #tpu.memory_space<hbm>> -> memref<10000x128xbf16, #tpu.memory_space<hbm>>
    tpu.enqueue_indirect_dma source(%dma_start3A_54 : memref<10000x128xbf16, #tpu.memory_space<hbm>>) target(%arg10 : memref<128x128xbf16, #tpu.memory_space<vmem>>) offsets(%dma_start3A_51 : memref<128xi32, #tpu.memory_space<vmem>>) semaphore(%arg19 : memref<!tpu.dma_semaphore, #tpu.memory_space<semaphore_mem>>)
    %dma_start3A_55 = arith.constant 2 : i32
    %dma_start3A_56 = arith.constant 0 : i32
    %dma_start3A_57 = tpu.memref_slice %arg7[%dma_start3A_55, %dma_start3A_56] : memref<79x128xi32, #tpu.memory_space<vmem>> -> memref<1x128xi32, #tpu.memory_space<vmem>>
    %dma_start3A_58 = tpu.memref_squeeze %dma_start3A_57 : memref<1x128xi32, #tpu.memory_space<vmem>> -> memref<128xi32, #tpu.memory_space<vmem>>
    %dma_start3A_59 = arith.constant 0 : i32
    %dma_start3A_60 = arith.constant 0 : i32
    %dma_start3A_61 = tpu.memref_slice %arg2[%dma_start3A_59, %dma_start3A_60] : memref<10000x128xbf16, #tpu.memory_space<hbm>> -> memref<10000x128xbf16, #tpu.memory_space<hbm>>
    tpu.enqueue_indirect_dma source(%dma_start3A_61 : memref<10000x128xbf16, #tpu.memory_space<hbm>>) target(%arg11 : memref<128x128xbf16, #tpu.memory_space<vmem>>) offsets(%dma_start3A_58 : memref<128xi32, #tpu.memory_space<vmem>>) semaphore(%arg20 : memref<!tpu.dma_semaphore, #tpu.memory_space<semaphore_mem>>)
    %dma_start3A_62 = arith.constant 3 : i32
    %dma_start3A_63 = arith.constant 0 : i32
    %dma_start3A_64 = tpu.memref_slice %arg7[%dma_start3A_62, %dma_start3A_63] : memref<79x128xi32, #tpu.memory_space<vmem>> -> memref<1x128xi32, #tpu.memory_space<vmem>>
    %dma_start3A_65 = tpu.memref_squeeze %dma_start3A_64 : memref<1x128xi32, #tpu.memory_space<vmem>> -> memref<128xi32, #tpu.memory_space<vmem>>
    %dma_start3A_66 = arith.constant 0 : i32
    %dma_start3A_67 = arith.constant 0 : i32
    %dma_start3A_68 = tpu.memref_slice %arg2[%dma_start3A_66, %dma_start3A_67] : memref<10000x128xbf16, #tpu.memory_space<hbm>> -> memref<10000x128xbf16, #tpu.memory_space<hbm>>
    tpu.enqueue_indirect_dma source(%dma_start3A_68 : memref<10000x128xbf16, #tpu.memory_space<hbm>>) target(%arg12 : memref<128x128xbf16, #tpu.memory_space<vmem>>) offsets(%dma_start3A_65 : memref<128xi32, #tpu.memory_space<vmem>>) semaphore(%arg21 : memref<!tpu.dma_semaphore, #tpu.memory_space<semaphore_mem>>)
    %dma_start3A_69 = arith.constant 4 : i32
    %dma_start3A_70 = arith.constant 0 : i32
    %dma_start3A_71 = tpu.memref_slice %arg7[%dma_start3A_69, %dma_start3A_70] : memref<79x128xi32, #tpu.memory_space<vmem>> -> memref<1x128xi32, #tpu.memory_space<vmem>>
    %dma_start3A_72 = tpu.memref_squeeze %dma_start3A_71 : memref<1x128xi32, #tpu.memory_space<vmem>> -> memref<128xi32, #tpu.memory_space<vmem>>
    %dma_start3A_73 = arith.constant 0 : i32
    %dma_start3A_74 = arith.constant 0 : i32
    %dma_start3A_75 = tpu.memref_slice %arg2[%dma_start3A_73, %dma_start3A_74] : memref<10000x128xbf16, #tpu.memory_space<hbm>> -> memref<10000x128xbf16, #tpu.memory_space<hbm>>
    tpu.enqueue_indirect_dma source(%dma_start3A_75 : memref<10000x128xbf16, #tpu.memory_space<hbm>>) target(%arg13 : memref<128x128xbf16, #tpu.memory_space<vmem>>) offsets(%dma_start3A_72 : memref<128xi32, #tpu.memory_space<vmem>>) semaphore(%arg22 : memref<!tpu.dma_semaphore, #tpu.memory_space<semaphore_mem>>)
    %dma_start3A_76 = arith.constant 5 : i32
    %dma_start3A_77 = arith.constant 0 : i32
    %dma_start3A_78 = tpu.memref_slice %arg7[%dma_start3A_76, %dma_start3A_77] : memref<79x128xi32, #tpu.memory_space<vmem>> -> memref<1x128xi32, #tpu.memory_space<vmem>>
    %dma_start3A_79 = tpu.memref_squeeze %dma_start3A_78 : memref<1x128xi32, #tpu.memory_space<vmem>> -> memref<128xi32, #tpu.memory_space<vmem>>
    %dma_start3A_80 = arith.constant 0 : i32
    %dma_start3A_81 = arith.constant 0 : i32
    %dma_start3A_82 = tpu.memref_slice %arg2[%dma_start3A_80, %dma_start3A_81] : memref<10000x128xbf16, #tpu.memory_space<hbm>> -> memref<10000x128xbf16, #tpu.memory_space<hbm>>
    tpu.enqueue_indirect_dma source(%dma_start3A_82 : memref<10000x128xbf16, #tpu.memory_space<hbm>>) target(%arg14 : memref<128x128xbf16, #tpu.memory_space<vmem>>) offsets(%dma_start3A_79 : memref<128xi32, #tpu.memory_space<vmem>>) semaphore(%arg23 : memref<!tpu.dma_semaphore, #tpu.memory_space<semaphore_mem>>)
    %scan3A_83 = arith.constant 0 : i32
    %scan3A_84 = arith.constant 0 : i32
    %scan3A_85 = arith.constant 12 : i32
    %scan3A_86 = arith.addi %scan3A_84, %scan3A_85 : i32
    %scan3A_87 = arith.constant 1 : i32
    %scan3A_88 = scf.for %scan3A_344 = %scan3A_84 to %scan3A_86 step %scan3A_87 iter_args(%scan3A_345 = %scan3A_83) -> (i32)  : i32 {
      %mul3A_346 = arith.constant 6 : i32
      %mul3A_347 = arith.muli %scan3A_344, %mul3A_346 : i32
      %add3A_348 = arith.constant 0 : i32
      %add3A_349 = arith.addi %mul3A_347, %add3A_348 : i32
      %get3A_350 = arith.index_cast %add3A_349 : i32 to index
      %get3A_351 = arith.constant 0 : index
      %get3A_352 = tpu.vector_load %arg8[%get3A_350, %get3A_351] {strides = array<i32>} : memref<79x128xi32, #tpu.memory_space<vmem>>, vector<16xi32>,
      tpu.vector_store_idx %arg16[%get3A_352], %broadcast_in_dim3A_41 {add = true} : memref<10240xf32, #tpu.memory_space<vmem>>[vector<16xi32>], vector<16xf32>,
      %get3A_353 = arith.index_cast %add3A_349 : i32 to index
      %get3A_354 = arith.constant 16 : index
      %get3A_355 = tpu.vector_load %arg8[%get3A_353, %get3A_354] {strides = array<i32>} : memref<79x128xi32, #tpu.memory_space<vmem>>, vector<16xi32>,
      tpu.vector_store_idx %arg16[%get3A_355], %broadcast_in_dim3A_41 {add = true} : memref<10240xf32, #tpu.memory_space<vmem>>[vector<16xi32>], vector<16xf32>,
      %get3A_356 = arith.index_cast %add3A_349 : i32 to index
      %get3A_357 = arith.constant 32 : index
      %get3A_358 = tpu.vector_load %arg8[%get3A_356, %get3A_357] {strides = array<i32>} : memref<79x128xi32, #tpu.memory_space<vmem>>, vector<16xi32>,
      tpu.vector_store_idx %arg16[%get3A_358], %broadcast_in_dim3A_41 {add = true} : memref<10240xf32, #tpu.memory_space<vmem>>[vector<16xi32>], vector<16xf32>,
      %get3A_359 = arith.index_cast %add3A_349 : i32 to index
      %get3A_360 = arith.constant 48 : index
      %get3A_361 = tpu.vector_load %arg8[%get3A_359, %get3A_360] {strides = array<i32>} : memref<79x128xi32, #tpu.memory_space<vmem>>, vector<16xi32>,
      tpu.vector_store_idx %arg16[%get3A_361], %broadcast_in_dim3A_41 {add = true} : memref<10240xf32, #tpu.memory_space<vmem>>[vector<16xi32>], vector<16xf32>,
      %get3A_362 = arith.index_cast %add3A_349 : i32 to index
      %get3A_363 = arith.constant 64 : index
      %get3A_364 = tpu.vector_load %arg8[%get3A_362, %get3A_363] {strides = array<i32>} : memref<79x128xi32, #tpu.memory_space<vmem>>, vector<16xi32>,
      tpu.vector_store_idx %arg16[%get3A_364], %broadcast_in_dim3A_41 {add = true} : memref<10240xf32, #tpu.memory_space<vmem>>[vector<16xi32>], vector<16xf32>,
      %get3A_365 = arith.index_cast %add3A_349 : i32 to index
      %get3A_366 = arith.constant 80 : index
      %get3A_367 = tpu.vector_load %arg8[%get3A_365, %get3A_366] {strides = array<i32>} : memref<79x128xi32, #tpu.memory_space<vmem>>, vector<16xi32>,
      tpu.vector_store_idx %arg16[%get3A_367], %broadcast_in_dim3A_41 {add = true} : memref<10240xf32, #tpu.memory_space<vmem>>[vector<16xi32>], vector<16xf32>,
      %get3A_368 = arith.index_cast %add3A_349 : i32 to index
      %get3A_369 = arith.constant 96 : index
      %get3A_370 = tpu.vector_load %arg8[%get3A_368, %get3A_369] {strides = array<i32>} : memref<79x128xi32, #tpu.memory_space<vmem>>, vector<16xi32>,
      tpu.vector_store_idx %arg16[%get3A_370], %broadcast_in_dim3A_41 {add = true} : memref<10240xf32, #tpu.memory_space<vmem>>[vector<16xi32>], vector<16xf32>,
      %get3A_371 = arith.index_cast %add3A_349 : i32 to index
      %get3A_372 = arith.constant 112 : index
      %get3A_373 = tpu.vector_load %arg8[%get3A_371, %get3A_372] {strides = array<i32>} : memref<79x128xi32, #tpu.memory_space<vmem>>, vector<16xi32>,
      tpu.vector_store_idx %arg16[%get3A_373], %broadcast_in_dim3A_41 {add = true} : memref<10240xf32, #tpu.memory_space<vmem>>[vector<16xi32>], vector<16xf32>,
      %add3A_374 = arith.constant 0 : i32
      %add3A_375 = arith.addi %mul3A_347, %add3A_374 : i32
      %dma_wait3A_376 = arith.constant 0 : i32
      %dma_wait3A_377 = tpu.memref_slice %arg7[%add3A_375, %dma_wait3A_376] : memref<79x128xi32, #tpu.memory_space<vmem>> -> memref<1x128xi32, #tpu.memory_space<vmem>>
      %dma_wait3A_378 = tpu.memref_squeeze %dma_wait3A_377 : memref<1x128xi32, #tpu.memory_space<vmem>> -> memref<128xi32, #tpu.memory_space<vmem>>
      %dma_wait3A_379 = arith.constant 0 : i32
      %dma_wait3A_380 = arith.constant 0 : i32
      %dma_wait3A_381 = tpu.memref_slice %arg2[%dma_wait3A_379, %dma_wait3A_380] : memref<10000x128xbf16, #tpu.memory_space<hbm>> -> memref<10000x128xbf16, #tpu.memory_space<hbm>>
      tpu.wait_indirect_dma semaphore(%arg18 : memref<!tpu.dma_semaphore, #tpu.memory_space<semaphore_mem>>) src(%dma_wait3A_381 : memref<10000x128xbf16, #tpu.memory_space<hbm>>) dst(%arg9 : memref<128x128xbf16, #tpu.memory_space<vmem>>)
      %add3A_382 = arith.constant 0 : i32
      %add3A_383 = arith.addi %mul3A_347, %add3A_382 : i32
      "tpu.region"() ({
        %run_scoped3A_625 = tpu.sem_alloc : memref<!tpu.dma_semaphore, #tpu.memory_space<semaphore_mem>>
        %dma_start3A_626 = arith.constant 0 : i32
        %dma_start3A_627 = tpu.memref_slice %arg8[%add3A_383, %dma_start3A_626] : memref<79x128xi32, #tpu.memory_space<vmem>> -> memref<1x128xi32, #tpu.memory_space<vmem>>
        %dma_start3A_628 = tpu.memref_squeeze %dma_start3A_627 : memref<1x128xi32, #tpu.memory_space<vmem>> -> memref<128xi32, #tpu.memory_space<vmem>>
        %dma_start3A_629 = arith.constant 0 : i32
        %dma_start3A_630 = arith.constant 0 : i32
        %dma_start3A_631 = tpu.memref_slice %arg17[%dma_start3A_629, %dma_start3A_630] : memref<10240x128xbf16, #tpu.memory_space<vmem_shared>> -> memref<10240x128xbf16, #tpu.memory_space<vmem_shared>>
        tpu.enqueue_indirect_dma source(%arg9 : memref<128x128xbf16, #tpu.memory_space<vmem>>) target(%dma_start3A_631 : memref<10240x128xbf16, #tpu.memory_space<vmem_shared>>) offsets(%dma_start3A_628 : memref<128xi32, #tpu.memory_space<vmem>>) semaphore(%run_scoped3A_625 : memref<!tpu.dma_semaphore, #tpu.memory_space<semaphore_mem>>) {add = true}
        %dma_wait3A_632 = arith.constant 0 : i32
        %dma_wait3A_633 = tpu.memref_slice %arg8[%add3A_383, %dma_wait3A_632] : memref<79x128xi32, #tpu.memory_space<vmem>> -> memref<1x128xi32, #tpu.memory_space<vmem>>
        %dma_wait3A_634 = tpu.memref_squeeze %dma_wait3A_633 : memref<1x128xi32, #tpu.memory_space<vmem>> -> memref<128xi32, #tpu.memory_space<vmem>>
        %dma_wait3A_635 = arith.constant 0 : i32
        %dma_wait3A_636 = arith.constant 0 : i32
        %dma_wait3A_637 = tpu.memref_slice %arg17[%dma_wait3A_635, %dma_wait3A_636] : memref<10240x128xbf16, #tpu.memory_space<vmem_shared>> -> memref<10240x128xbf16, #tpu.memory_space<vmem_shared>>
        tpu.wait_indirect_dma semaphore(%run_scoped3A_625 : memref<!tpu.dma_semaphore, #tpu.memory_space<semaphore_mem>>) src(%arg9 : memref<128x128xbf16, #tpu.memory_space<vmem>>) dst(%dma_wait3A_637 : memref<10240x128xbf16, #tpu.memory_space<vmem_shared>>)
        tpu.yield
      }) : () -> ()
      %add3A_384 = arith.constant 6 : i32
      %add3A_385 = arith.addi %mul3A_347, %add3A_384 : i32
      %add3A_386 = arith.constant 0 : i32
      %add3A_387 = arith.addi %add3A_385, %add3A_386 : i32
      %dma_start3A_388 = arith.constant 0 : i32
      %dma_start3A_389 = tpu.memref_slice %arg7[%add3A_387, %dma_start3A_388] : memref<79x128xi32, #tpu.memory_space<vmem>> -> memref<1x128xi32, #tpu.memory_space<vmem>>
      %dma_start3A_390 = tpu.memref_squeeze %dma_start3A_389 : memref<1x128xi32, #tpu.memory_space<vmem>> -> memref<128xi32, #tpu.memory_space<vmem>>
      %dma_start3A_391 = arith.constant 0 : i32
      %dma_start3A_392 = arith.constant 0 : i32
      %dma_start3A_393 = tpu.memref_slice %arg2[%dma_start3A_391, %dma_start3A_392] : memref<10000x128xbf16, #tpu.memory_space<hbm>> -> memref<10000x128xbf16, #tpu.memory_space<hbm>>
      tpu.enqueue_indirect_dma source(%dma_start3A_393 : memref<10000x128xbf16, #tpu.memory_space<hbm>>) target(%arg9 : memref<128x128xbf16, #tpu.memory_space<vmem>>) offsets(%dma_start3A_390 : memref<128xi32, #tpu.memory_space<vmem>>) semaphore(%arg18 : memref<!tpu.dma_semaphore, #tpu.memory_space<semaphore_mem>>)
      %add3A_394 = arith.constant 1 : i32
      %add3A_395 = arith.addi %mul3A_347, %add3A_394 : i32
      %get3A_396 = arith.index_cast %add3A_395 : i32 to index
      %get3A_397 = arith.constant 0 : index
      %get3A_398 = tpu.vector_load %arg8[%get3A_396, %get3A_397] {strides = array<i32>} : memref<79x128xi32, #tpu.memory_space<vmem>>, vector<16xi32>,
      tpu.vector_store_idx %arg16[%get3A_398], %broadcast_in_dim3A_41 {add = true} : memref<10240xf32, #tpu.memory_space<vmem>>[vector<16xi32>], vector<16xf32>,
      %get3A_399 = arith.index_cast %add3A_395 : i32 to index
      %get3A_400 = arith.constant 16 : index
      %get3A_401 = tpu.vector_load %arg8[%get3A_399, %get3A_400] {strides = array<i32>} : memref<79x128xi32, #tpu.memory_space<vmem>>, vector<16xi32>,
      tpu.vector_store_idx %arg16[%get3A_401], %broadcast_in_dim3A_41 {add = true} : memref<10240xf32, #tpu.memory_space<vmem>>[vector<16xi32>], vector<16xf32>,
      %get3A_402 = arith.index_cast %add3A_395 : i32 to index
      %get3A_403 = arith.constant 32 : index
      %get3A_404 = tpu.vector_load %arg8[%get3A_402, %get3A_403] {strides = array<i32>} : memref<79x128xi32, #tpu.memory_space<vmem>>, vector<16xi32>,
      tpu.vector_store_idx %arg16[%get3A_404], %broadcast_in_dim3A_41 {add = true} : memref<10240xf32, #tpu.memory_space<vmem>>[vector<16xi32>], vector<16xf32>,
      %get3A_405 = arith.index_cast %add3A_395 : i32 to index
      %get3A_406 = arith.constant 48 : index
      %get3A_407 = tpu.vector_load %arg8[%get3A_405, %get3A_406] {strides = array<i32>} : memref<79x128xi32, #tpu.memory_space<vmem>>, vector<16xi32>,
      tpu.vector_store_idx %arg16[%get3A_407], %broadcast_in_dim3A_41 {add = true} : memref<10240xf32, #tpu.memory_space<vmem>>[vector<16xi32>], vector<16xf32>,
      %get3A_408 = arith.index_cast %add3A_395 : i32 to index
      %get3A_409 = arith.constant 64 : index
      %get3A_410 = tpu.vector_load %arg8[%get3A_408, %get3A_409] {strides = array<i32>} : memref<79x128xi32, #tpu.memory_space<vmem>>, vector<16xi32>,
      tpu.vector_store_idx %arg16[%get3A_410], %broadcast_in_dim3A_41 {add = true} : memref<10240xf32, #tpu.memory_space<vmem>>[vector<16xi32>], vector<16xf32>,
      %get3A_411 = arith.index_cast %add3A_395 : i32 to index
      %get3A_412 = arith.constant 80 : index
      %get3A_413 = tpu.vector_load %arg8[%get3A_411, %get3A_412] {strides = array<i32>} : memref<79x128xi32, #tpu.memory_space<vmem>>, vector<16xi32>,
      tpu.vector_store_idx %arg16[%get3A_413], %broadcast_in_dim3A_41 {add = true} : memref<10240xf32, #tpu.memory_space<vmem>>[vector<16xi32>], vector<16xf32>,
      %get3A_414 = arith.index_cast %add3A_395 : i32 to index
      %get3A_415 = arith.constant 96 : index
      %get3A_416 = tpu.vector_load %arg8[%get3A_414, %get3A_415] {strides = array<i32>} : memref<79x128xi32, #tpu.memory_space<vmem>>, vector<16xi32>,
      tpu.vector_store_idx %arg16[%get3A_416], %broadcast_in_dim3A_41 {add = true} : memref<10240xf32, #tpu.memory_space<vmem>>[vector<16xi32>], vector<16xf32>,
      %get3A_417 = arith.index_cast %add3A_395 : i32 to index
      %get3A_418 = arith.constant 112 : index
      %get3A_419 = tpu.vector_load %arg8[%get3A_417, %get3A_418] {strides = array<i32>} : memref<79x128xi32, #tpu.memory_space<vmem>>, vector<16xi32>,
      tpu.vector_store_idx %arg16[%get3A_419], %broadcast_in_dim3A_41 {add = true} : memref<10240xf32, #tpu.memory_space<vmem>>[vector<16xi32>], vector<16xf32>,
      %add3A_420 = arith.constant 1 : i32
      %add3A_421 = arith.addi %mul3A_347, %add3A_420 : i32
      %dma_wait3A_422 = arith.constant 0 : i32
      %dma_wait3A_423 = tpu.memref_slice %arg7[%add3A_421, %dma_wait3A_422] : memref<79x128xi32, #tpu.memory_space<vmem>> -> memref<1x128xi32, #tpu.memory_space<vmem>>
      %dma_wait3A_424 = tpu.memref_squeeze %dma_wait3A_423 : memref<1x128xi32, #tpu.memory_space<vmem>> -> memref<128xi32, #tpu.memory_space<vmem>>
      %dma_wait3A_425 = arith.constant 0 : i32
      %dma_wait3A_426 = arith.constant 0 : i32
      %dma_wait3A_427 = tpu.memref_slice %arg2[%dma_wait3A_425, %dma_wait3A_426] : memref<10000x128xbf16, #tpu.memory_space<hbm>> -> memref<10000x128xbf16, #tpu.memory_space<hbm>>
      tpu.wait_indirect_dma semaphore(%arg19 : memref<!tpu.dma_semaphore, #tpu.memory_space<semaphore_mem>>) src(%dma_wait3A_427 : memref<10000x128xbf16, #tpu.memory_space<hbm>>) dst(%arg10 : memref<128x128xbf16, #tpu.memory_space<vmem>>)
      %add3A_428 = arith.constant 1 : i32
      %add3A_429 = arith.addi %mul3A_347, %add3A_428 : i32
      "tpu.region"() ({
        %run_scoped3A_625 = tpu.sem_alloc : memref<!tpu.dma_semaphore, #tpu.memory_space<semaphore_mem>>
        %dma_start3A_626 = arith.constant 0 : i32
        %dma_start3A_627 = tpu.memref_slice %arg8[%add3A_429, %dma_start3A_626] : memref<79x128xi32, #tpu.memory_space<vmem>> -> memref<1x128xi32, #tpu.memory_space<vmem>>
        %dma_start3A_628 = tpu.memref_squeeze %dma_start3A_627 : memref<1x128xi32, #tpu.memory_space<vmem>> -> memref<128xi32, #tpu.memory_space<vmem>>
        %dma_start3A_629 = arith.constant 0 : i32
        %dma_start3A_630 = arith.constant 0 : i32
        %dma_start3A_631 = tpu.memref_slice %arg17[%dma_start3A_629, %dma_start3A_630] : memref<10240x128xbf16, #tpu.memory_space<vmem_shared>> -> memref<10240x128xbf16, #tpu.memory_space<vmem_shared>>
        tpu.enqueue_indirect_dma source(%arg10 : memref<128x128xbf16, #tpu.memory_space<vmem>>) target(%dma_start3A_631 : memref<10240x128xbf16, #tpu.memory_space<vmem_shared>>) offsets(%dma_start3A_628 : memref<128xi32, #tpu.memory_space<vmem>>) semaphore(%run_scoped3A_625 : memref<!tpu.dma_semaphore, #tpu.memory_space<semaphore_mem>>) {add = true}
        %dma_wait3A_632 = arith.constant 0 : i32
        %dma_wait3A_633 = tpu.memref_slice %arg8[%add3A_429, %dma_wait3A_632] : memref<79x128xi32, #tpu.memory_space<vmem>> -> memref<1x128xi32, #tpu.memory_space<vmem>>
        %dma_wait3A_634 = tpu.memref_squeeze %dma_wait3A_633 : memref<1x128xi32, #tpu.memory_space<vmem>> -> memref<128xi32, #tpu.memory_space<vmem>>
        %dma_wait3A_635 = arith.constant 0 : i32
        %dma_wait3A_636 = arith.constant 0 : i32
        %dma_wait3A_637 = tpu.memref_slice %arg17[%dma_wait3A_635, %dma_wait3A_636] : memref<10240x128xbf16, #tpu.memory_space<vmem_shared>> -> memref<10240x128xbf16, #tpu.memory_space<vmem_shared>>
        tpu.wait_indirect_dma semaphore(%run_scoped3A_625 : memref<!tpu.dma_semaphore, #tpu.memory_space<semaphore_mem>>) src(%arg10 : memref<128x128xbf16, #tpu.memory_space<vmem>>) dst(%dma_wait3A_637 : memref<10240x128xbf16, #tpu.memory_space<vmem_shared>>)
        tpu.yield
      }) : () -> ()
      %add3A_430 = arith.constant 6 : i32
      %add3A_431 = arith.addi %mul3A_347, %add3A_430 : i32
      %add3A_432 = arith.constant 1 : i32
      %add3A_433 = arith.addi %add3A_431, %add3A_432 : i32
      %dma_start3A_434 = arith.constant 0 : i32
      %dma_start3A_435 = tpu.memref_slice %arg7[%add3A_433, %dma_start3A_434] : memref<79x128xi32, #tpu.memory_space<vmem>> -> memref<1x128xi32, #tpu.memory_space<vmem>>
      %dma_start3A_436 = tpu.memref_squeeze %dma_start3A_435 : memref<1x128xi32, #tpu.memory_space<vmem>> -> memref<128xi32, #tpu.memory_space<vmem>>
      %dma_start3A_437 = arith.constant 0 : i32
      %dma_start3A_438 = arith.constant 0 : i32
      %dma_start3A_439 = tpu.memref_slice %arg2[%dma_start3A_437, %dma_start3A_438] : memref<10000x128xbf16, #tpu.memory_space<hbm>> -> memref<10000x128xbf16, #tpu.memory_space<hbm>>
      tpu.enqueue_indirect_dma source(%dma_start3A_439 : memref<10000x128xbf16, #tpu.memory_space<hbm>>) target(%arg10 : memref<128x128xbf16, #tpu.memory_space<vmem>>) offsets(%dma_start3A_436 : memref<128xi32, #tpu.memory_space<vmem>>) semaphore(%arg19 : memref<!tpu.dma_semaphore, #tpu.memory_space<semaphore_mem>>)
      %add3A_440 = arith.constant 2 : i32
      %add3A_441 = arith.addi %mul3A_347, %add3A_440 : i32
      %get3A_442 = arith.index_cast %add3A_441 : i32 to index
      %get3A_443 = arith.constant 0 : index
      %get3A_444 = tpu.vector_load %arg8[%get3A_442, %get3A_443] {strides = array<i32>} : memref<79x128xi32, #tpu.memory_space<vmem>>, vector<16xi32>,
      tpu.vector_store_idx %arg16[%get3A_444], %broadcast_in_dim3A_41 {add = true} : memref<10240xf32, #tpu.memory_space<vmem>>[vector<16xi32>], vector<16xf32>,
      %get3A_445 = arith.index_cast %add3A_441 : i32 to index
      %get3A_446 = arith.constant 16 : index
      %get3A_447 = tpu.vector_load %arg8[%get3A_445, %get3A_446] {strides = array<i32>} : memref<79x128xi32, #tpu.memory_space<vmem>>, vector<16xi32>,
      tpu.vector_store_idx %arg16[%get3A_447], %broadcast_in_dim3A_41 {add = true} : memref<10240xf32, #tpu.memory_space<vmem>>[vector<16xi32>], vector<16xf32>,
      %get3A_448 = arith.index_cast %add3A_441 : i32 to index
      %get3A_449 = arith.constant 32 : index
      %get3A_450 = tpu.vector_load %arg8[%get3A_448, %get3A_449] {strides = array<i32>} : memref<79x128xi32, #tpu.memory_space<vmem>>, vector<16xi32>,
      tpu.vector_store_idx %arg16[%get3A_450], %broadcast_in_dim3A_41 {add = true} : memref<10240xf32, #tpu.memory_space<vmem>>[vector<16xi32>], vector<16xf32>,
      %get3A_451 = arith.index_cast %add3A_441 : i32 to index
      %get3A_452 = arith.constant 48 : index
      %get3A_453 = tpu.vector_load %arg8[%get3A_451, %get3A_452] {strides = array<i32>} : memref<79x128xi32, #tpu.memory_space<vmem>>, vector<16xi32>,
      tpu.vector_store_idx %arg16[%get3A_453], %broadcast_in_dim3A_41 {add = true} : memref<10240xf32, #tpu.memory_space<vmem>>[vector<16xi32>], vector<16xf32>,
      %get3A_454 = arith.index_cast %add3A_441 : i32 to index
      %get3A_455 = arith.constant 64 : index
      %get3A_456 = tpu.vector_load %arg8[%get3A_454, %get3A_455] {strides = array<i32>} : memref<79x128xi32, #tpu.memory_space<vmem>>, vector<16xi32>,
      tpu.vector_store_idx %arg16[%get3A_456], %broadcast_in_dim3A_41 {add = true} : memref<10240xf32, #tpu.memory_space<vmem>>[vector<16xi32>], vector<16xf32>,
      %get3A_457 = arith.index_cast %add3A_441 : i32 to index
      %get3A_458 = arith.constant 80 : index
      %get3A_459 = tpu.vector_load %arg8[%get3A_457, %get3A_458] {strides = array<i32>} : memref<79x128xi32, #tpu.memory_space<vmem>>, vector<16xi32>,
      tpu.vector_store_idx %arg16[%get3A_459], %broadcast_in_dim3A_41 {add = true} : memref<10240xf32, #tpu.memory_space<vmem>>[vector<16xi32>], vector<16xf32>,
      %get3A_460 = arith.index_cast %add3A_441 : i32 to index
      %get3A_461 = arith.constant 96 : index
      %get3A_462 = tpu.vector_load %arg8[%get3A_460, %get3A_461] {strides = array<i32>} : memref<79x128xi32, #tpu.memory_space<vmem>>, vector<16xi32>,
      tpu.vector_store_idx %arg16[%get3A_462], %broadcast_in_dim3A_41 {add = true} : memref<10240xf32, #tpu.memory_space<vmem>>[vector<16xi32>], vector<16xf32>,
      %get3A_463 = arith.index_cast %add3A_441 : i32 to index
      %get3A_464 = arith.constant 112 : index
      %get3A_465 = tpu.vector_load %arg8[%get3A_463, %get3A_464] {strides = array<i32>} : memref<79x128xi32, #tpu.memory_space<vmem>>, vector<16xi32>,
      tpu.vector_store_idx %arg16[%get3A_465], %broadcast_in_dim3A_41 {add = true} : memref<10240xf32, #tpu.memory_space<vmem>>[vector<16xi32>], vector<16xf32>,
      %add3A_466 = arith.constant 2 : i32
      %add3A_467 = arith.addi %mul3A_347, %add3A_466 : i32
      %dma_wait3A_468 = arith.constant 0 : i32
      %dma_wait3A_469 = tpu.memref_slice %arg7[%add3A_467, %dma_wait3A_468] : memref<79x128xi32, #tpu.memory_space<vmem>> -> memref<1x128xi32, #tpu.memory_space<vmem>>
      %dma_wait3A_470 = tpu.memref_squeeze %dma_wait3A_469 : memref<1x128xi32, #tpu.memory_space<vmem>> -> memref<128xi32, #tpu.memory_space<vmem>>
      %dma_wait3A_471 = arith.constant 0 : i32
      %dma_wait3A_472 = arith.constant 0 : i32
      %dma_wait3A_473 = tpu.memref_slice %arg2[%dma_wait3A_471, %dma_wait3A_472] : memref<10000x128xbf16, #tpu.memory_space<hbm>> -> memref<10000x128xbf16, #tpu.memory_space<hbm>>
      tpu.wait_indirect_dma semaphore(%arg20 : memref<!tpu.dma_semaphore, #tpu.memory_space<semaphore_mem>>) src(%dma_wait3A_473 : memref<10000x128xbf16, #tpu.memory_space<hbm>>) dst(%arg11 : memref<128x128xbf16, #tpu.memory_space<vmem>>)
      %add3A_474 = arith.constant 2 : i32
      %add3A_475 = arith.addi %mul3A_347, %add3A_474 : i32
      "tpu.region"() ({
        %run_scoped3A_625 = tpu.sem_alloc : memref<!tpu.dma_semaphore, #tpu.memory_space<semaphore_mem>>
        %dma_start3A_626 = arith.constant 0 : i32
        %dma_start3A_627 = tpu.memref_slice %arg8[%add3A_475, %dma_start3A_626] : memref<79x128xi32, #tpu.memory_space<vmem>> -> memref<1x128xi32, #tpu.memory_space<vmem>>
        %dma_start3A_628 = tpu.memref_squeeze %dma_start3A_627 : memref<1x128xi32, #tpu.memory_space<vmem>> -> memref<128xi32, #tpu.memory_space<vmem>>
        %dma_start3A_629 = arith.constant 0 : i32
        %dma_start3A_630 = arith.constant 0 : i32
        %dma_start3A_631 = tpu.memref_slice %arg17[%dma_start3A_629, %dma_start3A_630] : memref<10240x128xbf16, #tpu.memory_space<vmem_shared>> -> memref<10240x128xbf16, #tpu.memory_space<vmem_shared>>
        tpu.enqueue_indirect_dma source(%arg11 : memref<128x128xbf16, #tpu.memory_space<vmem>>) target(%dma_start3A_631 : memref<10240x128xbf16, #tpu.memory_space<vmem_shared>>) offsets(%dma_start3A_628 : memref<128xi32, #tpu.memory_space<vmem>>) semaphore(%run_scoped3A_625 : memref<!tpu.dma_semaphore, #tpu.memory_space<semaphore_mem>>) {add = true}
        %dma_wait3A_632 = arith.constant 0 : i32
        %dma_wait3A_633 = tpu.memref_slice %arg8[%add3A_475, %dma_wait3A_632] : memref<79x128xi32, #tpu.memory_space<vmem>> -> memref<1x128xi32, #tpu.memory_space<vmem>>
        %dma_wait3A_634 = tpu.memref_squeeze %dma_wait3A_633 : memref<1x128xi32, #tpu.memory_space<vmem>> -> memref<128xi32, #tpu.memory_space<vmem>>
        %dma_wait3A_635 = arith.constant 0 : i32
        %dma_wait3A_636 = arith.constant 0 : i32
        %dma_wait3A_637 = tpu.memref_slice %arg17[%dma_wait3A_635, %dma_wait3A_636] : memref<10240x128xbf16, #tpu.memory_space<vmem_shared>> -> memref<10240x128xbf16, #tpu.memory_space<vmem_shared>>
        tpu.wait_indirect_dma semaphore(%run_scoped3A_625 : memref<!tpu.dma_semaphore, #tpu.memory_space<semaphore_mem>>) src(%arg11 : memref<128x128xbf16, #tpu.memory_space<vmem>>) dst(%dma_wait3A_637 : memref<10240x128xbf16, #tpu.memory_space<vmem_shared>>)
        tpu.yield
      }) : () -> ()
      %add3A_476 = arith.constant 6 : i32
      %add3A_477 = arith.addi %mul3A_347, %add3A_476 : i32
      %add3A_478 = arith.constant 2 : i32
      %add3A_479 = arith.addi %add3A_477, %add3A_478 : i32
      %dma_start3A_480 = arith.constant 0 : i32
      %dma_start3A_481 = tpu.memref_slice %arg7[%add3A_479, %dma_start3A_480] : memref<79x128xi32, #tpu.memory_space<vmem>> -> memref<1x128xi32, #tpu.memory_space<vmem>>
      %dma_start3A_482 = tpu.memref_squeeze %dma_start3A_481 : memref<1x128xi32, #tpu.memory_space<vmem>> -> memref<128xi32, #tpu.memory_space<vmem>>
      %dma_start3A_483 = arith.constant 0 : i32
      %dma_start3A_484 = arith.constant 0 : i32
      %dma_start3A_485 = tpu.memref_slice %arg2[%dma_start3A_483, %dma_start3A_484] : memref<10000x128xbf16, #tpu.memory_space<hbm>> -> memref<10000x128xbf16, #tpu.memory_space<hbm>>
      tpu.enqueue_indirect_dma source(%dma_start3A_485 : memref<10000x128xbf16, #tpu.memory_space<hbm>>) target(%arg11 : memref<128x128xbf16, #tpu.memory_space<vmem>>) offsets(%dma_start3A_482 : memref<128xi32, #tpu.memory_space<vmem>>) semaphore(%arg20 : memref<!tpu.dma_semaphore, #tpu.memory_space<semaphore_mem>>)
      %add3A_486 = arith.constant 3 : i32
      %add3A_487 = arith.addi %mul3A_347, %add3A_486 : i32
      %get3A_488 = arith.index_cast %add3A_487 : i32 to index
      %get3A_489 = arith.constant 0 : index
      %get3A_490 = tpu.vector_load %arg8[%get3A_488, %get3A_489] {strides = array<i32>} : memref<79x128xi32, #tpu.memory_space<vmem>>, vector<16xi32>,
      tpu.vector_store_idx %arg16[%get3A_490], %broadcast_in_dim3A_41 {add = true} : memref<10240xf32, #tpu.memory_space<vmem>>[vector<16xi32>], vector<16xf32>,
      %get3A_491 = arith.index_cast %add3A_487 : i32 to index
      %get3A_492 = arith.constant 16 : index
      %get3A_493 = tpu.vector_load %arg8[%get3A_491, %get3A_492] {strides = array<i32>} : memref<79x128xi32, #tpu.memory_space<vmem>>, vector<16xi32>,
      tpu.vector_store_idx %arg16[%get3A_493], %broadcast_in_dim3A_41 {add = true} : memref<10240xf32, #tpu.memory_space<vmem>>[vector<16xi32>], vector<16xf32>,
      %get3A_494 = arith.index_cast %add3A_487 : i32 to index
      %get3A_495 = arith.constant 32 : index
      %get3A_496 = tpu.vector_load %arg8[%get3A_494, %get3A_495] {strides = array<i32>} : memref<79x128xi32, #tpu.memory_space<vmem>>, vector<16xi32>,
      tpu.vector_store_idx %arg16[%get3A_496], %broadcast_in_dim3A_41 {add = true} : memref<10240xf32, #tpu.memory_space<vmem>>[vector<16xi32>], vector<16xf32>,
      %get3A_497 = arith.index_cast %add3A_487 : i32 to index
      %get3A_498 = arith.constant 48 : index
      %get3A_499 = tpu.vector_load %arg8[%get3A_497, %get3A_498] {strides = array<i32>} : memref<79x128xi32, #tpu.memory_space<vmem>>, vector<16xi32>,
      tpu.vector_store_idx %arg16[%get3A_499], %broadcast_in_dim3A_41 {add = true} : memref<10240xf32, #tpu.memory_space<vmem>>[vector<16xi32>], vector<16xf32>,
      %get3A_500 = arith.index_cast %add3A_487 : i32 to index
      %get3A_501 = arith.constant 64 : index
      %get3A_502 = tpu.vector_load %arg8[%get3A_500, %get3A_501] {strides = array<i32>} : memref<79x128xi32, #tpu.memory_space<vmem>>, vector<16xi32>,
      tpu.vector_store_idx %arg16[%get3A_502], %broadcast_in_dim3A_41 {add = true} : memref<10240xf32, #tpu.memory_space<vmem>>[vector<16xi32>], vector<16xf32>,
      %get3A_503 = arith.index_cast %add3A_487 : i32 to index
      %get3A_504 = arith.constant 80 : index
      %get3A_505 = tpu.vector_load %arg8[%get3A_503, %get3A_504] {strides = array<i32>} : memref<79x128xi32, #tpu.memory_space<vmem>>, vector<16xi32>,
      tpu.vector_store_idx %arg16[%get3A_505], %broadcast_in_dim3A_41 {add = true} : memref<10240xf32, #tpu.memory_space<vmem>>[vector<16xi32>], vector<16xf32>,
      %get3A_506 = arith.index_cast %add3A_487 : i32 to index
      %get3A_507 = arith.constant 96 : index
      %get3A_508 = tpu.vector_load %arg8[%get3A_506, %get3A_507] {strides = array<i32>} : memref<79x128xi32, #tpu.memory_space<vmem>>, vector<16xi32>,
      tpu.vector_store_idx %arg16[%get3A_508], %broadcast_in_dim3A_41 {add = true} : memref<10240xf32, #tpu.memory_space<vmem>>[vector<16xi32>], vector<16xf32>,
      %get3A_509 = arith.index_cast %add3A_487 : i32 to index
      %get3A_510 = arith.constant 112 : index
      %get3A_511 = tpu.vector_load %arg8[%get3A_509, %get3A_510] {strides = array<i32>} : memref<79x128xi32, #tpu.memory_space<vmem>>, vector<16xi32>,
      tpu.vector_store_idx %arg16[%get3A_511], %broadcast_in_dim3A_41 {add = true} : memref<10240xf32, #tpu.memory_space<vmem>>[vector<16xi32>], vector<16xf32>,
      %add3A_512 = arith.constant 3 : i32
      %add3A_513 = arith.addi %mul3A_347, %add3A_512 : i32
      %dma_wait3A_514 = arith.constant 0 : i32
      %dma_wait3A_515 = tpu.memref_slice %arg7[%add3A_513, %dma_wait3A_514] : memref<79x128xi32, #tpu.memory_space<vmem>> -> memref<1x128xi32, #tpu.memory_space<vmem>>
      %dma_wait3A_516 = tpu.memref_squeeze %dma_wait3A_515 : memref<1x128xi32, #tpu.memory_space<vmem>> -> memref<128xi32, #tpu.memory_space<vmem>>
      %dma_wait3A_517 = arith.constant 0 : i32
      %dma_wait3A_518 = arith.constant 0 : i32
      %dma_wait3A_519 = tpu.memref_slice %arg2[%dma_wait3A_517, %dma_wait3A_518] : memref<10000x128xbf16, #tpu.memory_space<hbm>> -> memref<10000x128xbf16, #tpu.memory_space<hbm>>
      tpu.wait_indirect_dma semaphore(%arg21 : memref<!tpu.dma_semaphore, #tpu.memory_space<semaphore_mem>>) src(%dma_wait3A_519 : memref<10000x128xbf16, #tpu.memory_space<hbm>>) dst(%arg12 : memref<128x128xbf16, #tpu.memory_space<vmem>>)
      %add3A_520 = arith.constant 3 : i32
      %add3A_521 = arith.addi %mul3A_347, %add3A_520 : i32
      "tpu.region"() ({
        %run_scoped3A_625 = tpu.sem_alloc : memref<!tpu.dma_semaphore, #tpu.memory_space<semaphore_mem>>
        %dma_start3A_626 = arith.constant 0 : i32
        %dma_start3A_627 = tpu.memref_slice %arg8[%add3A_521, %dma_start3A_626] : memref<79x128xi32, #tpu.memory_space<vmem>> -> memref<1x128xi32, #tpu.memory_space<vmem>>
        %dma_start3A_628 = tpu.memref_squeeze %dma_start3A_627 : memref<1x128xi32, #tpu.memory_space<vmem>> -> memref<128xi32, #tpu.memory_space<vmem>>
        %dma_start3A_629 = arith.constant 0 : i32
        %dma_start3A_630 = arith.constant 0 : i32
        %dma_start3A_631 = tpu.memref_slice %arg17[%dma_start3A_629, %dma_start3A_630] : memref<10240x128xbf16, #tpu.memory_space<vmem_shared>> -> memref<10240x128xbf16, #tpu.memory_space<vmem_shared>>
        tpu.enqueue_indirect_dma source(%arg12 : memref<128x128xbf16, #tpu.memory_space<vmem>>) target(%dma_start3A_631 : memref<10240x128xbf16, #tpu.memory_space<vmem_shared>>) offsets(%dma_start3A_628 : memref<128xi32, #tpu.memory_space<vmem>>) semaphore(%run_scoped3A_625 : memref<!tpu.dma_semaphore, #tpu.memory_space<semaphore_mem>>) {add = true}
        %dma_wait3A_632 = arith.constant 0 : i32
        %dma_wait3A_633 = tpu.memref_slice %arg8[%add3A_521, %dma_wait3A_632] : memref<79x128xi32, #tpu.memory_space<vmem>> -> memref<1x128xi32, #tpu.memory_space<vmem>>
        %dma_wait3A_634 = tpu.memref_squeeze %dma_wait3A_633 : memref<1x128xi32, #tpu.memory_space<vmem>> -> memref<128xi32, #tpu.memory_space<vmem>>
        %dma_wait3A_635 = arith.constant 0 : i32
        %dma_wait3A_636 = arith.constant 0 : i32
        %dma_wait3A_637 = tpu.memref_slice %arg17[%dma_wait3A_635, %dma_wait3A_636] : memref<10240x128xbf16, #tpu.memory_space<vmem_shared>> -> memref<10240x128xbf16, #tpu.memory_space<vmem_shared>>
        tpu.wait_indirect_dma semaphore(%run_scoped3A_625 : memref<!tpu.dma_semaphore, #tpu.memory_space<semaphore_mem>>) src(%arg12 : memref<128x128xbf16, #tpu.memory_space<vmem>>) dst(%dma_wait3A_637 : memref<10240x128xbf16, #tpu.memory_space<vmem_shared>>)
        tpu.yield
      }) : () -> ()
      %add3A_522 = arith.constant 6 : i32
      %add3A_523 = arith.addi %mul3A_347, %add3A_522 : i32
      %add3A_524 = arith.constant 3 : i32
      %add3A_525 = arith.addi %add3A_523, %add3A_524 : i32
      %dma_start3A_526 = arith.constant 0 : i32
      %dma_start3A_527 = tpu.memref_slice %arg7[%add3A_525, %dma_start3A_526] : memref<79x128xi32, #tpu.memory_space<vmem>> -> memref<1x128xi32, #tpu.memory_space<vmem>>
      %dma_start3A_528 = tpu.memref_squeeze %dma_start3A_527 : memref<1x128xi32, #tpu.memory_space<vmem>> -> memref<128xi32, #tpu.memory_space<vmem>>
      %dma_start3A_529 = arith.constant 0 : i32
      %dma_start3A_530 = arith.constant 0 : i32
      %dma_start3A_531 = tpu.memref_slice %arg2[%dma_start3A_529, %dma_start3A_530] : memref<10000x128xbf16, #tpu.memory_space<hbm>> -> memref<10000x128xbf16, #tpu.memory_space<hbm>>
      tpu.enqueue_indirect_dma source(%dma_start3A_531 : memref<10000x128xbf16, #tpu.memory_space<hbm>>) target(%arg12 : memref<128x128xbf16, #tpu.memory_space<vmem>>) offsets(%dma_start3A_528 : memref<128xi32, #tpu.memory_space<vmem>>) semaphore(%arg21 : memref<!tpu.dma_semaphore, #tpu.memory_space<semaphore_mem>>)
      %add3A_532 = arith.constant 4 : i32
      %add3A_533 = arith.addi %mul3A_347, %add3A_532 : i32
      %get3A_534 = arith.index_cast %add3A_533 : i32 to index
      %get3A_535 = arith.constant 0 : index
      %get3A_536 = tpu.vector_load %arg8[%get3A_534, %get3A_535] {strides = array<i32>} : memref<79x128xi32, #tpu.memory_space<vmem>>, vector<16xi32>,
      tpu.vector_store_idx %arg16[%get3A_536], %broadcast_in_dim3A_41 {add = true} : memref<10240xf32, #tpu.memory_space<vmem>>[vector<16xi32>], vector<16xf32>,
      %get3A_537 = arith.index_cast %add3A_533 : i32 to index
      %get3A_538 = arith.constant 16 : index
      %get3A_539 = tpu.vector_load %arg8[%get3A_537, %get3A_538] {strides = array<i32>} : memref<79x128xi32, #tpu.memory_space<vmem>>, vector<16xi32>,
      tpu.vector_store_idx %arg16[%get3A_539], %broadcast_in_dim3A_41 {add = true} : memref<10240xf32, #tpu.memory_space<vmem>>[vector<16xi32>], vector<16xf32>,
      %get3A_540 = arith.index_cast %add3A_533 : i32 to index
      %get3A_541 = arith.constant 32 : index
      %get3A_542 = tpu.vector_load %arg8[%get3A_540, %get3A_541] {strides = array<i32>} : memref<79x128xi32, #tpu.memory_space<vmem>>, vector<16xi32>,
      tpu.vector_store_idx %arg16[%get3A_542], %broadcast_in_dim3A_41 {add = true} : memref<10240xf32, #tpu.memory_space<vmem>>[vector<16xi32>], vector<16xf32>,
      %get3A_543 = arith.index_cast %add3A_533 : i32 to index
      %get3A_544 = arith.constant 48 : index
      %get3A_545 = tpu.vector_load %arg8[%get3A_543, %get3A_544] {strides = array<i32>} : memref<79x128xi32, #tpu.memory_space<vmem>>, vector<16xi32>,
      tpu.vector_store_idx %arg16[%get3A_545], %broadcast_in_dim3A_41 {add = true} : memref<10240xf32, #tpu.memory_space<vmem>>[vector<16xi32>], vector<16xf32>,
      %get3A_546 = arith.index_cast %add3A_533 : i32 to index
      %get3A_547 = arith.constant 64 : index
      %get3A_548 = tpu.vector_load %arg8[%get3A_546, %get3A_547] {strides = array<i32>} : memref<79x128xi32, #tpu.memory_space<vmem>>, vector<16xi32>,
      tpu.vector_store_idx %arg16[%get3A_548], %broadcast_in_dim3A_41 {add = true} : memref<10240xf32, #tpu.memory_space<vmem>>[vector<16xi32>], vector<16xf32>,
      %get3A_549 = arith.index_cast %add3A_533 : i32 to index
      %get3A_550 = arith.constant 80 : index
      %get3A_551 = tpu.vector_load %arg8[%get3A_549, %get3A_550] {strides = array<i32>} : memref<79x128xi32, #tpu.memory_space<vmem>>, vector<16xi32>,
      tpu.vector_store_idx %arg16[%get3A_551], %broadcast_in_dim3A_41 {add = true} : memref<10240xf32, #tpu.memory_space<vmem>>[vector<16xi32>], vector<16xf32>,
      %get3A_552 = arith.index_cast %add3A_533 : i32 to index
      %get3A_553 = arith.constant 96 : index
      %get3A_554 = tpu.vector_load %arg8[%get3A_552, %get3A_553] {strides = array<i32>} : memref<79x128xi32, #tpu.memory_space<vmem>>, vector<16xi32>,
      tpu.vector_store_idx %arg16[%get3A_554], %broadcast_in_dim3A_41 {add = true} : memref<10240xf32, #tpu.memory_space<vmem>>[vector<16xi32>], vector<16xf32>,
      %get3A_555 = arith.index_cast %add3A_533 : i32 to index
      %get3A_556 = arith.constant 112 : index
      %get3A_557 = tpu.vector_load %arg8[%get3A_555, %get3A_556] {strides = array<i32>} : memref<79x128xi32, #tpu.memory_space<vmem>>, vector<16xi32>,
      tpu.vector_store_idx %arg16[%get3A_557], %broadcast_in_dim3A_41 {add = true} : memref<10240xf32, #tpu.memory_space<vmem>>[vector<16xi32>], vector<16xf32>,
      %add3A_558 = arith.constant 4 : i32
      %add3A_559 = arith.addi %mul3A_347, %add3A_558 : i32
      %dma_wait3A_560 = arith.constant 0 : i32
      %dma_wait3A_561 = tpu.memref_slice %arg7[%add3A_559, %dma_wait3A_560] : memref<79x128xi32, #tpu.memory_space<vmem>> -> memref<1x128xi32, #tpu.memory_space<vmem>>
      %dma_wait3A_562 = tpu.memref_squeeze %dma_wait3A_561 : memref<1x128xi32, #tpu.memory_space<vmem>> -> memref<128xi32, #tpu.memory_space<vmem>>
      %dma_wait3A_563 = arith.constant 0 : i32
      %dma_wait3A_564 = arith.constant 0 : i32
      %dma_wait3A_565 = tpu.memref_slice %arg2[%dma_wait3A_563, %dma_wait3A_564] : memref<10000x128xbf16, #tpu.memory_space<hbm>> -> memref<10000x128xbf16, #tpu.memory_space<hbm>>
      tpu.wait_indirect_dma semaphore(%arg22 : memref<!tpu.dma_semaphore, #tpu.memory_space<semaphore_mem>>) src(%dma_wait3A_565 : memref<10000x128xbf16, #tpu.memory_space<hbm>>) dst(%arg13 : memref<128x128xbf16, #tpu.memory_space<vmem>>)
      %add3A_566 = arith.constant 4 : i32
      %add3A_567 = arith.addi %mul3A_347, %add3A_566 : i32
      "tpu.region"() ({
        %run_scoped3A_625 = tpu.sem_alloc : memref<!tpu.dma_semaphore, #tpu.memory_space<semaphore_mem>>
        %dma_start3A_626 = arith.constant 0 : i32
        %dma_start3A_627 = tpu.memref_slice %arg8[%add3A_567, %dma_start3A_626] : memref<79x128xi32, #tpu.memory_space<vmem>> -> memref<1x128xi32, #tpu.memory_space<vmem>>
        %dma_start3A_628 = tpu.memref_squeeze %dma_start3A_627 : memref<1x128xi32, #tpu.memory_space<vmem>> -> memref<128xi32, #tpu.memory_space<vmem>>
        %dma_start3A_629 = arith.constant 0 : i32
        %dma_start3A_630 = arith.constant 0 : i32
        %dma_start3A_631 = tpu.memref_slice %arg17[%dma_start3A_629, %dma_start3A_630] : memref<10240x128xbf16, #tpu.memory_space<vmem_shared>> -> memref<10240x128xbf16, #tpu.memory_space<vmem_shared>>
        tpu.enqueue_indirect_dma source(%arg13 : memref<128x128xbf16, #tpu.memory_space<vmem>>) target(%dma_start3A_631 : memref<10240x128xbf16, #tpu.memory_space<vmem_shared>>) offsets(%dma_start3A_628 : memref<128xi32, #tpu.memory_space<vmem>>) semaphore(%run_scoped3A_625 : memref<!tpu.dma_semaphore, #tpu.memory_space<semaphore_mem>>) {add = true}
        %dma_wait3A_632 = arith.constant 0 : i32
        %dma_wait3A_633 = tpu.memref_slice %arg8[%add3A_567, %dma_wait3A_632] : memref<79x128xi32, #tpu.memory_space<vmem>> -> memref<1x128xi32, #tpu.memory_space<vmem>>
        %dma_wait3A_634 = tpu.memref_squeeze %dma_wait3A_633 : memref<1x128xi32, #tpu.memory_space<vmem>> -> memref<128xi32, #tpu.memory_space<vmem>>
        %dma_wait3A_635 = arith.constant 0 : i32
        %dma_wait3A_636 = arith.constant 0 : i32
        %dma_wait3A_637 = tpu.memref_slice %arg17[%dma_wait3A_635, %dma_wait3A_636] : memref<10240x128xbf16, #tpu.memory_space<vmem_shared>> -> memref<10240x128xbf16, #tpu.memory_space<vmem_shared>>
        tpu.wait_indirect_dma semaphore(%run_scoped3A_625 : memref<!tpu.dma_semaphore, #tpu.memory_space<semaphore_mem>>) src(%arg13 : memref<128x128xbf16, #tpu.memory_space<vmem>>) dst(%dma_wait3A_637 : memref<10240x128xbf16, #tpu.memory_space<vmem_shared>>)
        tpu.yield
      }) : () -> ()
      %add3A_568 = arith.constant 6 : i32
      %add3A_569 = arith.addi %mul3A_347, %add3A_568 : i32
      %add3A_570 = arith.constant 4 : i32
      %add3A_571 = arith.addi %add3A_569, %add3A_570 : i32
      %dma_start3A_572 = arith.constant 0 : i32
      %dma_start3A_573 = tpu.memref_slice %arg7[%add3A_571, %dma_start3A_572] : memref<79x128xi32, #tpu.memory_space<vmem>> -> memref<1x128xi32, #tpu.memory_space<vmem>>
      %dma_start3A_574 = tpu.memref_squeeze %dma_start3A_573 : memref<1x128xi32, #tpu.memory_space<vmem>> -> memref<128xi32, #tpu.memory_space<vmem>>
      %dma_start3A_575 = arith.constant 0 : i32
      %dma_start3A_576 = arith.constant 0 : i32
      %dma_start3A_577 = tpu.memref_slice %arg2[%dma_start3A_575, %dma_start3A_576] : memref<10000x128xbf16, #tpu.memory_space<hbm>> -> memref<10000x128xbf16, #tpu.memory_space<hbm>>
      tpu.enqueue_indirect_dma source(%dma_start3A_577 : memref<10000x128xbf16, #tpu.memory_space<hbm>>) target(%arg13 : memref<128x128xbf16, #tpu.memory_space<vmem>>) offsets(%dma_start3A_574 : memref<128xi32, #tpu.memory_space<vmem>>) semaphore(%arg22 : memref<!tpu.dma_semaphore, #tpu.memory_space<semaphore_mem>>)
      %add3A_578 = arith.constant 5 : i32
      %add3A_579 = arith.addi %mul3A_347, %add3A_578 : i32
      %get3A_580 = arith.index_cast %add3A_579 : i32 to index
      %get3A_581 = arith.constant 0 : index
      %get3A_582 = tpu.vector_load %arg8[%get3A_580, %get3A_581] {strides = array<i32>} : memref<79x128xi32, #tpu.memory_space<vmem>>, vector<16xi32>,
      tpu.vector_store_idx %arg16[%get3A_582], %broadcast_in_dim3A_41 {add = true} : memref<10240xf32, #tpu.memory_space<vmem>>[vector<16xi32>], vector<16xf32>,
      %get3A_583 = arith.index_cast %add3A_579 : i32 to index
      %get3A_584 = arith.constant 16 : index
      %get3A_585 = tpu.vector_load %arg8[%get3A_583, %get3A_584] {strides = array<i32>} : memref<79x128xi32, #tpu.memory_space<vmem>>, vector<16xi32>,
      tpu.vector_store_idx %arg16[%get3A_585], %broadcast_in_dim3A_41 {add = true} : memref<10240xf32, #tpu.memory_space<vmem>>[vector<16xi32>], vector<16xf32>,
      %get3A_586 = arith.index_cast %add3A_579 : i32 to index
      %get3A_587 = arith.constant 32 : index
      %get3A_588 = tpu.vector_load %arg8[%get3A_586, %get3A_587] {strides = array<i32>} : memref<79x128xi32, #tpu.memory_space<vmem>>, vector<16xi32>,
      tpu.vector_store_idx %arg16[%get3A_588], %broadcast_in_dim3A_41 {add = true} : memref<10240xf32, #tpu.memory_space<vmem>>[vector<16xi32>], vector<16xf32>,
      %get3A_589 = arith.index_cast %add3A_579 : i32 to index
      %get3A_590 = arith.constant 48 : index
      %get3A_591 = tpu.vector_load %arg8[%get3A_589, %get3A_590] {strides = array<i32>} : memref<79x128xi32, #tpu.memory_space<vmem>>, vector<16xi32>,
      tpu.vector_store_idx %arg16[%get3A_591], %broadcast_in_dim3A_41 {add = true} : memref<10240xf32, #tpu.memory_space<vmem>>[vector<16xi32>], vector<16xf32>,
      %get3A_592 = arith.index_cast %add3A_579 : i32 to index
      %get3A_593 = arith.constant 64 : index
      %get3A_594 = tpu.vector_load %arg8[%get3A_592, %get3A_593] {strides = array<i32>} : memref<79x128xi32, #tpu.memory_space<vmem>>, vector<16xi32>,
      tpu.vector_store_idx %arg16[%get3A_594], %broadcast_in_dim3A_41 {add = true} : memref<10240xf32, #tpu.memory_space<vmem>>[vector<16xi32>], vector<16xf32>,
      %get3A_595 = arith.index_cast %add3A_579 : i32 to index
      %get3A_596 = arith.constant 80 : index
      %get3A_597 = tpu.vector_load %arg8[%get3A_595, %get3A_596] {strides = array<i32>} : memref<79x128xi32, #tpu.memory_space<vmem>>, vector<16xi32>,
      tpu.vector_store_idx %arg16[%get3A_597], %broadcast_in_dim3A_41 {add = true} : memref<10240xf32, #tpu.memory_space<vmem>>[vector<16xi32>], vector<16xf32>,
      %get3A_598 = arith.index_cast %add3A_579 : i32 to index
      %get3A_599 = arith.constant 96 : index
      %get3A_600 = tpu.vector_load %arg8[%get3A_598, %get3A_599] {strides = array<i32>} : memref<79x128xi32, #tpu.memory_space<vmem>>, vector<16xi32>,
      tpu.vector_store_idx %arg16[%get3A_600], %broadcast_in_dim3A_41 {add = true} : memref<10240xf32, #tpu.memory_space<vmem>>[vector<16xi32>], vector<16xf32>,
      %get3A_601 = arith.index_cast %add3A_579 : i32 to index
      %get3A_602 = arith.constant 112 : index
      %get3A_603 = tpu.vector_load %arg8[%get3A_601, %get3A_602] {strides = array<i32>} : memref<79x128xi32, #tpu.memory_space<vmem>>, vector<16xi32>,
      tpu.vector_store_idx %arg16[%get3A_603], %broadcast_in_dim3A_41 {add = true} : memref<10240xf32, #tpu.memory_space<vmem>>[vector<16xi32>], vector<16xf32>,
      %add3A_604 = arith.constant 5 : i32
      %add3A_605 = arith.addi %mul3A_347, %add3A_604 : i32
      %dma_wait3A_606 = arith.constant 0 : i32
      %dma_wait3A_607 = tpu.memref_slice %arg7[%add3A_605, %dma_wait3A_606] : memref<79x128xi32, #tpu.memory_space<vmem>> -> memref<1x128xi32, #tpu.memory_space<vmem>>
      %dma_wait3A_608 = tpu.memref_squeeze %dma_wait3A_607 : memref<1x128xi32, #tpu.memory_space<vmem>> -> memref<128xi32, #tpu.memory_space<vmem>>
      %dma_wait3A_609 = arith.constant 0 : i32
      %dma_wait3A_610 = arith.constant 0 : i32
      %dma_wait3A_611 = tpu.memref_slice %arg2[%dma_wait3A_609, %dma_wait3A_610] : memref<10000x128xbf16, #tpu.memory_space<hbm>> -> memref<10000x128xbf16, #tpu.memory_space<hbm>>
      tpu.wait_indirect_dma semaphore(%arg23 : memref<!tpu.dma_semaphore, #tpu.memory_space<semaphore_mem>>) src(%dma_wait3A_611 : memref<10000x128xbf16, #tpu.memory_space<hbm>>) dst(%arg14 : memref<128x128xbf16, #tpu.memory_space<vmem>>)
      %add3A_612 = arith.constant 5 : i32
      %add3A_613 = arith.addi %mul3A_347, %add3A_612 : i32
      "tpu.region"() ({
        %run_scoped3A_625 = tpu.sem_alloc : memref<!tpu.dma_semaphore, #tpu.memory_space<semaphore_mem>>
        %dma_start3A_626 = arith.constant 0 : i32
        %dma_start3A_627 = tpu.memref_slice %arg8[%add3A_613, %dma_start3A_626] : memref<79x128xi32, #tpu.memory_space<vmem>> -> memref<1x128xi32, #tpu.memory_space<vmem>>
        %dma_start3A_628 = tpu.memref_squeeze %dma_start3A_627 : memref<1x128xi32, #tpu.memory_space<vmem>> -> memref<128xi32, #tpu.memory_space<vmem>>
        %dma_start3A_629 = arith.constant 0 : i32
        %dma_start3A_630 = arith.constant 0 : i32
        %dma_start3A_631 = tpu.memref_slice %arg17[%dma_start3A_629, %dma_start3A_630] : memref<10240x128xbf16, #tpu.memory_space<vmem_shared>> -> memref<10240x128xbf16, #tpu.memory_space<vmem_shared>>
        tpu.enqueue_indirect_dma source(%arg14 : memref<128x128xbf16, #tpu.memory_space<vmem>>) target(%dma_start3A_631 : memref<10240x128xbf16, #tpu.memory_space<vmem_shared>>) offsets(%dma_start3A_628 : memref<128xi32, #tpu.memory_space<vmem>>) semaphore(%run_scoped3A_625 : memref<!tpu.dma_semaphore, #tpu.memory_space<semaphore_mem>>) {add = true}
        %dma_wait3A_632 = arith.constant 0 : i32
        %dma_wait3A_633 = tpu.memref_slice %arg8[%add3A_613, %dma_wait3A_632] : memref<79x128xi32, #tpu.memory_space<vmem>> -> memref<1x128xi32, #tpu.memory_space<vmem>>
        %dma_wait3A_634 = tpu.memref_squeeze %dma_wait3A_633 : memref<1x128xi32, #tpu.memory_space<vmem>> -> memref<128xi32, #tpu.memory_space<vmem>>
        %dma_wait3A_635 = arith.constant 0 : i32
        %dma_wait3A_636 = arith.constant 0 : i32
        %dma_wait3A_637 = tpu.memref_slice %arg17[%dma_wait3A_635, %dma_wait3A_636] : memref<10240x128xbf16, #tpu.memory_space<vmem_shared>> -> memref<10240x128xbf16, #tpu.memory_space<vmem_shared>>
        tpu.wait_indirect_dma semaphore(%run_scoped3A_625 : memref<!tpu.dma_semaphore, #tpu.memory_space<semaphore_mem>>) src(%arg14 : memref<128x128xbf16, #tpu.memory_space<vmem>>) dst(%dma_wait3A_637 : memref<10240x128xbf16, #tpu.memory_space<vmem_shared>>)
        tpu.yield
      }) : () -> ()
      %add3A_614 = arith.constant 6 : i32
      %add3A_615 = arith.addi %mul3A_347, %add3A_614 : i32
      %add3A_616 = arith.constant 5 : i32
      %add3A_617 = arith.addi %add3A_615, %add3A_616 : i32
      %dma_start3A_618 = arith.constant 0 : i32
      %dma_start3A_619 = tpu.memref_slice %arg7[%add3A_617, %dma_start3A_618] : memref<79x128xi32, #tpu.memory_space<vmem>> -> memref<1x128xi32, #tpu.memory_space<vmem>>
      %dma_start3A_620 = tpu.memref_squeeze %dma_start3A_619 : memref<1x128xi32, #tpu.memory_space<vmem>> -> memref<128xi32, #tpu.memory_space<vmem>>
      %dma_start3A_621 = arith.constant 0 : i32
      %dma_start3A_622 = arith.constant 0 : i32
      %dma_start3A_623 = tpu.memref_slice %arg2[%dma_start3A_621, %dma_start3A_622] : memref<10000x128xbf16, #tpu.memory_space<hbm>> -> memref<10000x128xbf16, #tpu.memory_space<hbm>>
      tpu.enqueue_indirect_dma source(%dma_start3A_623 : memref<10000x128xbf16, #tpu.memory_space<hbm>>) target(%arg14 : memref<128x128xbf16, #tpu.memory_space<vmem>>) offsets(%dma_start3A_620 : memref<128xi32, #tpu.memory_space<vmem>>) semaphore(%arg23 : memref<!tpu.dma_semaphore, #tpu.memory_space<semaphore_mem>>)
      %scan3A_624 = arith.constant 0 : i32
      scf.yield %scan3A_624 : i32
    }
    %scan3A_89 = arith.constant 12 : i32
    %get3A = arith.constant 72 : i32
    %get3A_90 = arith.index_cast %get3A : i32 to index
    %get3A_91 = arith.constant 0 : index
    %get3A_92 = tpu.vector_load %arg8[%get3A_90, %get3A_91] {strides = array<i32>} : memref<79x128xi32, #tpu.memory_space<vmem>>, vector<16xi32>,
    tpu.vector_store_idx %arg16[%get3A_92], %broadcast_in_dim3A_41 {add = true} : memref<10240xf32, #tpu.memory_space<vmem>>[vector<16xi32>], vector<16xf32>,
    %get3A_93 = arith.constant 72 : i32
    %get3A_94 = arith.index_cast %get3A_93 : i32 to index
    %get3A_95 = arith.constant 16 : index
    %get3A_96 = tpu.vector_load %arg8[%get3A_94, %get3A_95] {strides = array<i32>} : memref<79x128xi32, #tpu.memory_space<vmem>>, vector<16xi32>,
    tpu.vector_store_idx %arg16[%get3A_96], %broadcast_in_dim3A_41 {add = true} : memref<10240xf32, #tpu.memory_space<vmem>>[vector<16xi32>], vector<16xf32>,
    %get3A_97 = arith.constant 72 : i32
    %get3A_98 = arith.index_cast %get3A_97 : i32 to index
    %get3A_99 = arith.constant 32 : index
    %get3A_100 = tpu.vector_load %arg8[%get3A_98, %get3A_99] {strides = array<i32>} : memref<79x128xi32, #tpu.memory_space<vmem>>, vector<16xi32>,
    tpu.vector_store_idx %arg16[%get3A_100], %broadcast_in_dim3A_41 {add = true} : memref<10240xf32, #tpu.memory_space<vmem>>[vector<16xi32>], vector<16xf32>,
    %get3A_101 = arith.constant 72 : i32
    %get3A_102 = arith.index_cast %get3A_101 : i32 to index
    %get3A_103 = arith.constant 48 : index
    %get3A_104 = tpu.vector_load %arg8[%get3A_102, %get3A_103] {strides = array<i32>} : memref<79x128xi32, #tpu.memory_space<vmem>>, vector<16xi32>,
    tpu.vector_store_idx %arg16[%get3A_104], %broadcast_in_dim3A_41 {add = true} : memref<10240xf32, #tpu.memory_space<vmem>>[vector<16xi32>], vector<16xf32>,
    %get3A_105 = arith.constant 72 : i32
    %get3A_106 = arith.index_cast %get3A_105 : i32 to index
    %get3A_107 = arith.constant 64 : index
    %get3A_108 = tpu.vector_load %arg8[%get3A_106, %get3A_107] {strides = array<i32>} : memref<79x128xi32, #tpu.memory_space<vmem>>, vector<16xi32>,
    tpu.vector_store_idx %arg16[%get3A_108], %broadcast_in_dim3A_41 {add = true} : memref<10240xf32, #tpu.memory_space<vmem>>[vector<16xi32>], vector<16xf32>,
    %get3A_109 = arith.constant 72 : i32
    %get3A_110 = arith.index_cast %get3A_109 : i32 to index
    %get3A_111 = arith.constant 80 : index
    %get3A_112 = tpu.vector_load %arg8[%get3A_110, %get3A_111] {strides = array<i32>} : memref<79x128xi32, #tpu.memory_space<vmem>>, vector<16xi32>,
    tpu.vector_store_idx %arg16[%get3A_112], %broadcast_in_dim3A_41 {add = true} : memref<10240xf32, #tpu.memory_space<vmem>>[vector<16xi32>], vector<16xf32>,
    %get3A_113 = arith.constant 72 : i32
    %get3A_114 = arith.index_cast %get3A_113 : i32 to index
    %get3A_115 = arith.constant 96 : index
    %get3A_116 = tpu.vector_load %arg8[%get3A_114, %get3A_115] {strides = array<i32>} : memref<79x128xi32, #tpu.memory_space<vmem>>, vector<16xi32>,
    tpu.vector_store_idx %arg16[%get3A_116], %broadcast_in_dim3A_41 {add = true} : memref<10240xf32, #tpu.memory_space<vmem>>[vector<16xi32>], vector<16xf32>,
    %get3A_117 = arith.constant 72 : i32
    %get3A_118 = arith.index_cast %get3A_117 : i32 to index
    %get3A_119 = arith.constant 112 : index
    %get3A_120 = tpu.vector_load %arg8[%get3A_118, %get3A_119] {strides = array<i32>} : memref<79x128xi32, #tpu.memory_space<vmem>>, vector<16xi32>,
    tpu.vector_store_idx %arg16[%get3A_120], %broadcast_in_dim3A_41 {add = true} : memref<10240xf32, #tpu.memory_space<vmem>>[vector<16xi32>], vector<16xf32>,
    %dma_wait3A = arith.constant 72 : i32
    %dma_wait3A_121 = arith.constant 0 : i32
    %dma_wait3A_122 = tpu.memref_slice %arg7[%dma_wait3A, %dma_wait3A_121] : memref<79x128xi32, #tpu.memory_space<vmem>> -> memref<1x128xi32, #tpu.memory_space<vmem>>
    %dma_wait3A_123 = tpu.memref_squeeze %dma_wait3A_122 : memref<1x128xi32, #tpu.memory_space<vmem>> -> memref<128xi32, #tpu.memory_space<vmem>>
    %dma_wait3A_124 = arith.constant 0 : i32
    %dma_wait3A_125 = arith.constant 0 : i32
    %dma_wait3A_126 = tpu.memref_slice %arg2[%dma_wait3A_124, %dma_wait3A_125] : memref<10000x128xbf16, #tpu.memory_space<hbm>> -> memref<10000x128xbf16, #tpu.memory_space<hbm>>
    tpu.wait_indirect_dma semaphore(%arg18 : memref<!tpu.dma_semaphore, #tpu.memory_space<semaphore_mem>>) src(%dma_wait3A_126 : memref<10000x128xbf16, #tpu.memory_space<hbm>>) dst(%arg9 : memref<128x128xbf16, #tpu.memory_space<vmem>>)
    %run_scoped3A = arith.constant 72 : i32
    "tpu.region"() ({
      %run_scoped3A_344 = tpu.sem_alloc : memref<!tpu.dma_semaphore, #tpu.memory_space<semaphore_mem>>
      %dma_start3A_345 = arith.constant 0 : i32
      %dma_start3A_346 = tpu.memref_slice %arg8[%run_scoped3A, %dma_start3A_345] : memref<79x128xi32, #tpu.memory_space<vmem>> -> memref<1x128xi32, #tpu.memory_space<vmem>>
      %dma_start3A_347 = tpu.memref_squeeze %dma_start3A_346 : memref<1x128xi32, #tpu.memory_space<vmem>> -> memref<128xi32, #tpu.memory_space<vmem>>
      %dma_start3A_348 = arith.constant 0 : i32
      %dma_start3A_349 = arith.constant 0 : i32
      %dma_start3A_350 = tpu.memref_slice %arg17[%dma_start3A_348, %dma_start3A_349] : memref<10240x128xbf16, #tpu.memory_space<vmem_shared>> -> memref<10240x128xbf16, #tpu.memory_space<vmem_shared>>
      tpu.enqueue_indirect_dma source(%arg9 : memref<128x128xbf16, #tpu.memory_space<vmem>>) target(%dma_start3A_350 : memref<10240x128xbf16, #tpu.memory_space<vmem_shared>>) offsets(%dma_start3A_347 : memref<128xi32, #tpu.memory_space<vmem>>) semaphore(%run_scoped3A_344 : memref<!tpu.dma_semaphore, #tpu.memory_space<semaphore_mem>>) {add = true}
      %dma_wait3A_351 = arith.constant 0 : i32
      %dma_wait3A_352 = tpu.memref_slice %arg8[%run_scoped3A, %dma_wait3A_351] : memref<79x128xi32, #tpu.memory_space<vmem>> -> memref<1x128xi32, #tpu.memory_space<vmem>>
      %dma_wait3A_353 = tpu.memref_squeeze %dma_wait3A_352 : memref<1x128xi32, #tpu.memory_space<vmem>> -> memref<128xi32, #tpu.memory_space<vmem>>
      %dma_wait3A_354 = arith.constant 0 : i32
      %dma_wait3A_355 = arith.constant 0 : i32
      %dma_wait3A_356 = tpu.memref_slice %arg17[%dma_wait3A_354, %dma_wait3A_355] : memref<10240x128xbf16, #tpu.memory_space<vmem_shared>> -> memref<10240x128xbf16, #tpu.memory_space<vmem_shared>>
      tpu.wait_indirect_dma semaphore(%run_scoped3A_344 : memref<!tpu.dma_semaphore, #tpu.memory_space<semaphore_mem>>) src(%arg9 : memref<128x128xbf16, #tpu.memory_space<vmem>>) dst(%dma_wait3A_356 : memref<10240x128xbf16, #tpu.memory_space<vmem_shared>>)
      tpu.yield
    }) : () -> ()
    %get3A_127 = arith.constant 73 : i32
    %get3A_128 = arith.index_cast %get3A_127 : i32 to index
    %get3A_129 = arith.constant 0 : index
    %get3A_130 = tpu.vector_load %arg8[%get3A_128, %get3A_129] {strides = array<i32>} : memref<79x128xi32, #tpu.memory_space<vmem>>, vector<16xi32>,
    tpu.vector_store_idx %arg16[%get3A_130], %broadcast_in_dim3A_41 {add = true} : memref<10240xf32, #tpu.memory_space<vmem>>[vector<16xi32>], vector<16xf32>,
    %get3A_131 = arith.constant 73 : i32
    %get3A_132 = arith.index_cast %get3A_131 : i32 to index
    %get3A_133 = arith.constant 16 : index
    %get3A_134 = tpu.vector_load %arg8[%get3A_132, %get3A_133] {strides = array<i32>} : memref<79x128xi32, #tpu.memory_space<vmem>>, vector<16xi32>,
    tpu.vector_store_idx %arg16[%get3A_134], %broadcast_in_dim3A_41 {add = true} : memref<10240xf32, #tpu.memory_space<vmem>>[vector<16xi32>], vector<16xf32>,
    %get3A_135 = arith.constant 73 : i32
    %get3A_136 = arith.index_cast %get3A_135 : i32 to index
    %get3A_137 = arith.constant 32 : index
    %get3A_138 = tpu.vector_load %arg8[%get3A_136, %get3A_137] {strides = array<i32>} : memref<79x128xi32, #tpu.memory_space<vmem>>, vector<16xi32>,
    tpu.vector_store_idx %arg16[%get3A_138], %broadcast_in_dim3A_41 {add = true} : memref<10240xf32, #tpu.memory_space<vmem>>[vector<16xi32>], vector<16xf32>,
    %get3A_139 = arith.constant 73 : i32
    %get3A_140 = arith.index_cast %get3A_139 : i32 to index
    %get3A_141 = arith.constant 48 : index
    %get3A_142 = tpu.vector_load %arg8[%get3A_140, %get3A_141] {strides = array<i32>} : memref<79x128xi32, #tpu.memory_space<vmem>>, vector<16xi32>,
    tpu.vector_store_idx %arg16[%get3A_142], %broadcast_in_dim3A_41 {add = true} : memref<10240xf32, #tpu.memory_space<vmem>>[vector<16xi32>], vector<16xf32>,
    %get3A_143 = arith.constant 73 : i32
    %get3A_144 = arith.index_cast %get3A_143 : i32 to index
    %get3A_145 = arith.constant 64 : index
    %get3A_146 = tpu.vector_load %arg8[%get3A_144, %get3A_145] {strides = array<i32>} : memref<79x128xi32, #tpu.memory_space<vmem>>, vector<16xi32>,
    tpu.vector_store_idx %arg16[%get3A_146], %broadcast_in_dim3A_41 {add = true} : memref<10240xf32, #tpu.memory_space<vmem>>[vector<16xi32>], vector<16xf32>,
    %get3A_147 = arith.constant 73 : i32
    %get3A_148 = arith.index_cast %get3A_147 : i32 to index
    %get3A_149 = arith.constant 80 : index
    %get3A_150 = tpu.vector_load %arg8[%get3A_148, %get3A_149] {strides = array<i32>} : memref<79x128xi32, #tpu.memory_space<vmem>>, vector<16xi32>,
    tpu.vector_store_idx %arg16[%get3A_150], %broadcast_in_dim3A_41 {add = true} : memref<10240xf32, #tpu.memory_space<vmem>>[vector<16xi32>], vector<16xf32>,
    %get3A_151 = arith.constant 73 : i32
    %get3A_152 = arith.index_cast %get3A_151 : i32 to index
    %get3A_153 = arith.constant 96 : index
    %get3A_154 = tpu.vector_load %arg8[%get3A_152, %get3A_153] {strides = array<i32>} : memref<79x128xi32, #tpu.memory_space<vmem>>, vector<16xi32>,
    tpu.vector_store_idx %arg16[%get3A_154], %broadcast_in_dim3A_41 {add = true} : memref<10240xf32, #tpu.memory_space<vmem>>[vector<16xi32>], vector<16xf32>,
    %get3A_155 = arith.constant 73 : i32
    %get3A_156 = arith.index_cast %get3A_155 : i32 to index
    %get3A_157 = arith.constant 112 : index
    %get3A_158 = tpu.vector_load %arg8[%get3A_156, %get3A_157] {strides = array<i32>} : memref<79x128xi32, #tpu.memory_space<vmem>>, vector<16xi32>,
    tpu.vector_store_idx %arg16[%get3A_158], %broadcast_in_dim3A_41 {add = true} : memref<10240xf32, #tpu.memory_space<vmem>>[vector<16xi32>], vector<16xf32>,
    %dma_wait3A_159 = arith.constant 73 : i32
    %dma_wait3A_160 = arith.constant 0 : i32
    %dma_wait3A_161 = tpu.memref_slice %arg7[%dma_wait3A_159, %dma_wait3A_160] : memref<79x128xi32, #tpu.memory_space<vmem>> -> memref<1x128xi32, #tpu.memory_space<vmem>>
    %dma_wait3A_162 = tpu.memref_squeeze %dma_wait3A_161 : memref<1x128xi32, #tpu.memory_space<vmem>> -> memref<128xi32, #tpu.memory_space<vmem>>
    %dma_wait3A_163 = arith.constant 0 : i32
    %dma_wait3A_164 = arith.constant 0 : i32
    %dma_wait3A_165 = tpu.memref_slice %arg2[%dma_wait3A_163, %dma_wait3A_164] : memref<10000x128xbf16, #tpu.memory_space<hbm>> -> memref<10000x128xbf16, #tpu.memory_space<hbm>>
    tpu.wait_indirect_dma semaphore(%arg19 : memref<!tpu.dma_semaphore, #tpu.memory_space<semaphore_mem>>) src(%dma_wait3A_165 : memref<10000x128xbf16, #tpu.memory_space<hbm>>) dst(%arg10 : memref<128x128xbf16, #tpu.memory_space<vmem>>)
    %run_scoped3A_166 = arith.constant 73 : i32
    "tpu.region"() ({
      %run_scoped3A_344 = tpu.sem_alloc : memref<!tpu.dma_semaphore, #tpu.memory_space<semaphore_mem>>
      %dma_start3A_345 = arith.constant 0 : i32
      %dma_start3A_346 = tpu.memref_slice %arg8[%run_scoped3A_166, %dma_start3A_345] : memref<79x128xi32, #tpu.memory_space<vmem>> -> memref<1x128xi32, #tpu.memory_space<vmem>>
      %dma_start3A_347 = tpu.memref_squeeze %dma_start3A_346 : memref<1x128xi32, #tpu.memory_space<vmem>> -> memref<128xi32, #tpu.memory_space<vmem>>
      %dma_start3A_348 = arith.constant 0 : i32
      %dma_start3A_349 = arith.constant 0 : i32
      %dma_start3A_350 = tpu.memref_slice %arg17[%dma_start3A_348, %dma_start3A_349] : memref<10240x128xbf16, #tpu.memory_space<vmem_shared>> -> memref<10240x128xbf16, #tpu.memory_space<vmem_shared>>
      tpu.enqueue_indirect_dma source(%arg10 : memref<128x128xbf16, #tpu.memory_space<vmem>>) target(%dma_start3A_350 : memref<10240x128xbf16, #tpu.memory_space<vmem_shared>>) offsets(%dma_start3A_347 : memref<128xi32, #tpu.memory_space<vmem>>) semaphore(%run_scoped3A_344 : memref<!tpu.dma_semaphore, #tpu.memory_space<semaphore_mem>>) {add = true}
      %dma_wait3A_351 = arith.constant 0 : i32
      %dma_wait3A_352 = tpu.memref_slice %arg8[%run_scoped3A_166, %dma_wait3A_351] : memref<79x128xi32, #tpu.memory_space<vmem>> -> memref<1x128xi32, #tpu.memory_space<vmem>>
      %dma_wait3A_353 = tpu.memref_squeeze %dma_wait3A_352 : memref<1x128xi32, #tpu.memory_space<vmem>> -> memref<128xi32, #tpu.memory_space<vmem>>
      %dma_wait3A_354 = arith.constant 0 : i32
      %dma_wait3A_355 = arith.constant 0 : i32
      %dma_wait3A_356 = tpu.memref_slice %arg17[%dma_wait3A_354, %dma_wait3A_355] : memref<10240x128xbf16, #tpu.memory_space<vmem_shared>> -> memref<10240x128xbf16, #tpu.memory_space<vmem_shared>>
      tpu.wait_indirect_dma semaphore(%run_scoped3A_344 : memref<!tpu.dma_semaphore, #tpu.memory_space<semaphore_mem>>) src(%arg10 : memref<128x128xbf16, #tpu.memory_space<vmem>>) dst(%dma_wait3A_356 : memref<10240x128xbf16, #tpu.memory_space<vmem_shared>>)
      tpu.yield
    }) : () -> ()
    %get3A_167 = arith.constant 74 : i32
    %get3A_168 = arith.index_cast %get3A_167 : i32 to index
    %get3A_169 = arith.constant 0 : index
    %get3A_170 = tpu.vector_load %arg8[%get3A_168, %get3A_169] {strides = array<i32>} : memref<79x128xi32, #tpu.memory_space<vmem>>, vector<16xi32>,
    tpu.vector_store_idx %arg16[%get3A_170], %broadcast_in_dim3A_41 {add = true} : memref<10240xf32, #tpu.memory_space<vmem>>[vector<16xi32>], vector<16xf32>,
    %get3A_171 = arith.constant 74 : i32
    %get3A_172 = arith.index_cast %get3A_171 : i32 to index
    %get3A_173 = arith.constant 16 : index
    %get3A_174 = tpu.vector_load %arg8[%get3A_172, %get3A_173] {strides = array<i32>} : memref<79x128xi32, #tpu.memory_space<vmem>>, vector<16xi32>,
    tpu.vector_store_idx %arg16[%get3A_174], %broadcast_in_dim3A_41 {add = true} : memref<10240xf32, #tpu.memory_space<vmem>>[vector<16xi32>], vector<16xf32>,
    %get3A_175 = arith.constant 74 : i32
    %get3A_176 = arith.index_cast %get3A_175 : i32 to index
    %get3A_177 = arith.constant 32 : index
    %get3A_178 = tpu.vector_load %arg8[%get3A_176, %get3A_177] {strides = array<i32>} : memref<79x128xi32, #tpu.memory_space<vmem>>, vector<16xi32>,
    tpu.vector_store_idx %arg16[%get3A_178], %broadcast_in_dim3A_41 {add = true} : memref<10240xf32, #tpu.memory_space<vmem>>[vector<16xi32>], vector<16xf32>,
    %get3A_179 = arith.constant 74 : i32
    %get3A_180 = arith.index_cast %get3A_179 : i32 to index
    %get3A_181 = arith.constant 48 : index
    %get3A_182 = tpu.vector_load %arg8[%get3A_180, %get3A_181] {strides = array<i32>} : memref<79x128xi32, #tpu.memory_space<vmem>>, vector<16xi32>,
    tpu.vector_store_idx %arg16[%get3A_182], %broadcast_in_dim3A_41 {add = true} : memref<10240xf32, #tpu.memory_space<vmem>>[vector<16xi32>], vector<16xf32>,
    %get3A_183 = arith.constant 74 : i32
    %get3A_184 = arith.index_cast %get3A_183 : i32 to index
    %get3A_185 = arith.constant 64 : index
    %get3A_186 = tpu.vector_load %arg8[%get3A_184, %get3A_185] {strides = array<i32>} : memref<79x128xi32, #tpu.memory_space<vmem>>, vector<16xi32>,
    tpu.vector_store_idx %arg16[%get3A_186], %broadcast_in_dim3A_41 {add = true} : memref<10240xf32, #tpu.memory_space<vmem>>[vector<16xi32>], vector<16xf32>,
    %get3A_187 = arith.constant 74 : i32
    %get3A_188 = arith.index_cast %get3A_187 : i32 to index
    %get3A_189 = arith.constant 80 : index
    %get3A_190 = tpu.vector_load %arg8[%get3A_188, %get3A_189] {strides = array<i32>} : memref<79x128xi32, #tpu.memory_space<vmem>>, vector<16xi32>,
    tpu.vector_store_idx %arg16[%get3A_190], %broadcast_in_dim3A_41 {add = true} : memref<10240xf32, #tpu.memory_space<vmem>>[vector<16xi32>], vector<16xf32>,
    %get3A_191 = arith.constant 74 : i32
    %get3A_192 = arith.index_cast %get3A_191 : i32 to index
    %get3A_193 = arith.constant 96 : index
    %get3A_194 = tpu.vector_load %arg8[%get3A_192, %get3A_193] {strides = array<i32>} : memref<79x128xi32, #tpu.memory_space<vmem>>, vector<16xi32>,
    tpu.vector_store_idx %arg16[%get3A_194], %broadcast_in_dim3A_41 {add = true} : memref<10240xf32, #tpu.memory_space<vmem>>[vector<16xi32>], vector<16xf32>,
    %get3A_195 = arith.constant 74 : i32
    %get3A_196 = arith.index_cast %get3A_195 : i32 to index
    %get3A_197 = arith.constant 112 : index
    %get3A_198 = tpu.vector_load %arg8[%get3A_196, %get3A_197] {strides = array<i32>} : memref<79x128xi32, #tpu.memory_space<vmem>>, vector<16xi32>,
    tpu.vector_store_idx %arg16[%get3A_198], %broadcast_in_dim3A_41 {add = true} : memref<10240xf32, #tpu.memory_space<vmem>>[vector<16xi32>], vector<16xf32>,
    %dma_wait3A_199 = arith.constant 74 : i32
    %dma_wait3A_200 = arith.constant 0 : i32
    %dma_wait3A_201 = tpu.memref_slice %arg7[%dma_wait3A_199, %dma_wait3A_200] : memref<79x128xi32, #tpu.memory_space<vmem>> -> memref<1x128xi32, #tpu.memory_space<vmem>>
    %dma_wait3A_202 = tpu.memref_squeeze %dma_wait3A_201 : memref<1x128xi32, #tpu.memory_space<vmem>> -> memref<128xi32, #tpu.memory_space<vmem>>
    %dma_wait3A_203 = arith.constant 0 : i32
    %dma_wait3A_204 = arith.constant 0 : i32
    %dma_wait3A_205 = tpu.memref_slice %arg2[%dma_wait3A_203, %dma_wait3A_204] : memref<10000x128xbf16, #tpu.memory_space<hbm>> -> memref<10000x128xbf16, #tpu.memory_space<hbm>>
    tpu.wait_indirect_dma semaphore(%arg20 : memref<!tpu.dma_semaphore, #tpu.memory_space<semaphore_mem>>) src(%dma_wait3A_205 : memref<10000x128xbf16, #tpu.memory_space<hbm>>) dst(%arg11 : memref<128x128xbf16, #tpu.memory_space<vmem>>)
    %run_scoped3A_206 = arith.constant 74 : i32
    "tpu.region"() ({
      %run_scoped3A_344 = tpu.sem_alloc : memref<!tpu.dma_semaphore, #tpu.memory_space<semaphore_mem>>
      %dma_start3A_345 = arith.constant 0 : i32
      %dma_start3A_346 = tpu.memref_slice %arg8[%run_scoped3A_206, %dma_start3A_345] : memref<79x128xi32, #tpu.memory_space<vmem>> -> memref<1x128xi32, #tpu.memory_space<vmem>>
      %dma_start3A_347 = tpu.memref_squeeze %dma_start3A_346 : memref<1x128xi32, #tpu.memory_space<vmem>> -> memref<128xi32, #tpu.memory_space<vmem>>
      %dma_start3A_348 = arith.constant 0 : i32
      %dma_start3A_349 = arith.constant 0 : i32
      %dma_start3A_350 = tpu.memref_slice %arg17[%dma_start3A_348, %dma_start3A_349] : memref<10240x128xbf16, #tpu.memory_space<vmem_shared>> -> memref<10240x128xbf16, #tpu.memory_space<vmem_shared>>
      tpu.enqueue_indirect_dma source(%arg11 : memref<128x128xbf16, #tpu.memory_space<vmem>>) target(%dma_start3A_350 : memref<10240x128xbf16, #tpu.memory_space<vmem_shared>>) offsets(%dma_start3A_347 : memref<128xi32, #tpu.memory_space<vmem>>) semaphore(%run_scoped3A_344 : memref<!tpu.dma_semaphore, #tpu.memory_space<semaphore_mem>>) {add = true}
      %dma_wait3A_351 = arith.constant 0 : i32
      %dma_wait3A_352 = tpu.memref_slice %arg8[%run_scoped3A_206, %dma_wait3A_351] : memref<79x128xi32, #tpu.memory_space<vmem>> -> memref<1x128xi32, #tpu.memory_space<vmem>>
      %dma_wait3A_353 = tpu.memref_squeeze %dma_wait3A_352 : memref<1x128xi32, #tpu.memory_space<vmem>> -> memref<128xi32, #tpu.memory_space<vmem>>
      %dma_wait3A_354 = arith.constant 0 : i32
      %dma_wait3A_355 = arith.constant 0 : i32
      %dma_wait3A_356 = tpu.memref_slice %arg17[%dma_wait3A_354, %dma_wait3A_355] : memref<10240x128xbf16, #tpu.memory_space<vmem_shared>> -> memref<10240x128xbf16, #tpu.memory_space<vmem_shared>>
      tpu.wait_indirect_dma semaphore(%run_scoped3A_344 : memref<!tpu.dma_semaphore, #tpu.memory_space<semaphore_mem>>) src(%arg11 : memref<128x128xbf16, #tpu.memory_space<vmem>>) dst(%dma_wait3A_356 : memref<10240x128xbf16, #tpu.memory_space<vmem_shared>>)
      tpu.yield
    }) : () -> ()
    %get3A_207 = arith.constant 75 : i32
    %get3A_208 = arith.index_cast %get3A_207 : i32 to index
    %get3A_209 = arith.constant 0 : index
    %get3A_210 = tpu.vector_load %arg8[%get3A_208, %get3A_209] {strides = array<i32>} : memref<79x128xi32, #tpu.memory_space<vmem>>, vector<16xi32>,
    tpu.vector_store_idx %arg16[%get3A_210], %broadcast_in_dim3A_41 {add = true} : memref<10240xf32, #tpu.memory_space<vmem>>[vector<16xi32>], vector<16xf32>,
    %get3A_211 = arith.constant 75 : i32
    %get3A_212 = arith.index_cast %get3A_211 : i32 to index
    %get3A_213 = arith.constant 16 : index
    %get3A_214 = tpu.vector_load %arg8[%get3A_212, %get3A_213] {strides = array<i32>} : memref<79x128xi32, #tpu.memory_space<vmem>>, vector<16xi32>,
    tpu.vector_store_idx %arg16[%get3A_214], %broadcast_in_dim3A_41 {add = true} : memref<10240xf32, #tpu.memory_space<vmem>>[vector<16xi32>], vector<16xf32>,
    %get3A_215 = arith.constant 75 : i32
    %get3A_216 = arith.index_cast %get3A_215 : i32 to index
    %get3A_217 = arith.constant 32 : index
    %get3A_218 = tpu.vector_load %arg8[%get3A_216, %get3A_217] {strides = array<i32>} : memref<79x128xi32, #tpu.memory_space<vmem>>, vector<16xi32>,
    tpu.vector_store_idx %arg16[%get3A_218], %broadcast_in_dim3A_41 {add = true} : memref<10240xf32, #tpu.memory_space<vmem>>[vector<16xi32>], vector<16xf32>,
    %get3A_219 = arith.constant 75 : i32
    %get3A_220 = arith.index_cast %get3A_219 : i32 to index
    %get3A_221 = arith.constant 48 : index
    %get3A_222 = tpu.vector_load %arg8[%get3A_220, %get3A_221] {strides = array<i32>} : memref<79x128xi32, #tpu.memory_space<vmem>>, vector<16xi32>,
    tpu.vector_store_idx %arg16[%get3A_222], %broadcast_in_dim3A_41 {add = true} : memref<10240xf32, #tpu.memory_space<vmem>>[vector<16xi32>], vector<16xf32>,
    %get3A_223 = arith.constant 75 : i32
    %get3A_224 = arith.index_cast %get3A_223 : i32 to index
    %get3A_225 = arith.constant 64 : index
    %get3A_226 = tpu.vector_load %arg8[%get3A_224, %get3A_225] {strides = array<i32>} : memref<79x128xi32, #tpu.memory_space<vmem>>, vector<16xi32>,
    tpu.vector_store_idx %arg16[%get3A_226], %broadcast_in_dim3A_41 {add = true} : memref<10240xf32, #tpu.memory_space<vmem>>[vector<16xi32>], vector<16xf32>,
    %get3A_227 = arith.constant 75 : i32
    %get3A_228 = arith.index_cast %get3A_227 : i32 to index
    %get3A_229 = arith.constant 80 : index
    %get3A_230 = tpu.vector_load %arg8[%get3A_228, %get3A_229] {strides = array<i32>} : memref<79x128xi32, #tpu.memory_space<vmem>>, vector<16xi32>,
    tpu.vector_store_idx %arg16[%get3A_230], %broadcast_in_dim3A_41 {add = true} : memref<10240xf32, #tpu.memory_space<vmem>>[vector<16xi32>], vector<16xf32>,
    %get3A_231 = arith.constant 75 : i32
    %get3A_232 = arith.index_cast %get3A_231 : i32 to index
    %get3A_233 = arith.constant 96 : index
    %get3A_234 = tpu.vector_load %arg8[%get3A_232, %get3A_233] {strides = array<i32>} : memref<79x128xi32, #tpu.memory_space<vmem>>, vector<16xi32>,
    tpu.vector_store_idx %arg16[%get3A_234], %broadcast_in_dim3A_41 {add = true} : memref<10240xf32, #tpu.memory_space<vmem>>[vector<16xi32>], vector<16xf32>,
    %get3A_235 = arith.constant 75 : i32
    %get3A_236 = arith.index_cast %get3A_235 : i32 to index
    %get3A_237 = arith.constant 112 : index
    %get3A_238 = tpu.vector_load %arg8[%get3A_236, %get3A_237] {strides = array<i32>} : memref<79x128xi32, #tpu.memory_space<vmem>>, vector<16xi32>,
    tpu.vector_store_idx %arg16[%get3A_238], %broadcast_in_dim3A_41 {add = true} : memref<10240xf32, #tpu.memory_space<vmem>>[vector<16xi32>], vector<16xf32>,
    %dma_wait3A_239 = arith.constant 75 : i32
    %dma_wait3A_240 = arith.constant 0 : i32
    %dma_wait3A_241 = tpu.memref_slice %arg7[%dma_wait3A_239, %dma_wait3A_240] : memref<79x128xi32, #tpu.memory_space<vmem>> -> memref<1x128xi32, #tpu.memory_space<vmem>>
    %dma_wait3A_242 = tpu.memref_squeeze %dma_wait3A_241 : memref<1x128xi32, #tpu.memory_space<vmem>> -> memref<128xi32, #tpu.memory_space<vmem>>
    %dma_wait3A_243 = arith.constant 0 : i32
    %dma_wait3A_244 = arith.constant 0 : i32
    %dma_wait3A_245 = tpu.memref_slice %arg2[%dma_wait3A_243, %dma_wait3A_244] : memref<10000x128xbf16, #tpu.memory_space<hbm>> -> memref<10000x128xbf16, #tpu.memory_space<hbm>>
    tpu.wait_indirect_dma semaphore(%arg21 : memref<!tpu.dma_semaphore, #tpu.memory_space<semaphore_mem>>) src(%dma_wait3A_245 : memref<10000x128xbf16, #tpu.memory_space<hbm>>) dst(%arg12 : memref<128x128xbf16, #tpu.memory_space<vmem>>)
    %run_scoped3A_246 = arith.constant 75 : i32
    "tpu.region"() ({
      %run_scoped3A_344 = tpu.sem_alloc : memref<!tpu.dma_semaphore, #tpu.memory_space<semaphore_mem>>
      %dma_start3A_345 = arith.constant 0 : i32
      %dma_start3A_346 = tpu.memref_slice %arg8[%run_scoped3A_246, %dma_start3A_345] : memref<79x128xi32, #tpu.memory_space<vmem>> -> memref<1x128xi32, #tpu.memory_space<vmem>>
      %dma_start3A_347 = tpu.memref_squeeze %dma_start3A_346 : memref<1x128xi32, #tpu.memory_space<vmem>> -> memref<128xi32, #tpu.memory_space<vmem>>
      %dma_start3A_348 = arith.constant 0 : i32
      %dma_start3A_349 = arith.constant 0 : i32
      %dma_start3A_350 = tpu.memref_slice %arg17[%dma_start3A_348, %dma_start3A_349] : memref<10240x128xbf16, #tpu.memory_space<vmem_shared>> -> memref<10240x128xbf16, #tpu.memory_space<vmem_shared>>
      tpu.enqueue_indirect_dma source(%arg12 : memref<128x128xbf16, #tpu.memory_space<vmem>>) target(%dma_start3A_350 : memref<10240x128xbf16, #tpu.memory_space<vmem_shared>>) offsets(%dma_start3A_347 : memref<128xi32, #tpu.memory_space<vmem>>) semaphore(%run_scoped3A_344 : memref<!tpu.dma_semaphore, #tpu.memory_space<semaphore_mem>>) {add = true}
      %dma_wait3A_351 = arith.constant 0 : i32
      %dma_wait3A_352 = tpu.memref_slice %arg8[%run_scoped3A_246, %dma_wait3A_351] : memref<79x128xi32, #tpu.memory_space<vmem>> -> memref<1x128xi32, #tpu.memory_space<vmem>>
      %dma_wait3A_353 = tpu.memref_squeeze %dma_wait3A_352 : memref<1x128xi32, #tpu.memory_space<vmem>> -> memref<128xi32, #tpu.memory_space<vmem>>
      %dma_wait3A_354 = arith.constant 0 : i32
      %dma_wait3A_355 = arith.constant 0 : i32
      %dma_wait3A_356 = tpu.memref_slice %arg17[%dma_wait3A_354, %dma_wait3A_355] : memref<10240x128xbf16, #tpu.memory_space<vmem_shared>> -> memref<10240x128xbf16, #tpu.memory_space<vmem_shared>>
      tpu.wait_indirect_dma semaphore(%run_scoped3A_344 : memref<!tpu.dma_semaphore, #tpu.memory_space<semaphore_mem>>) src(%arg12 : memref<128x128xbf16, #tpu.memory_space<vmem>>) dst(%dma_wait3A_356 : memref<10240x128xbf16, #tpu.memory_space<vmem_shared>>)
      tpu.yield
    }) : () -> ()
    %get3A_247 = arith.constant 76 : i32
    %get3A_248 = arith.index_cast %get3A_247 : i32 to index
    %get3A_249 = arith.constant 0 : index
    %get3A_250 = tpu.vector_load %arg8[%get3A_248, %get3A_249] {strides = array<i32>} : memref<79x128xi32, #tpu.memory_space<vmem>>, vector<16xi32>,
    tpu.vector_store_idx %arg16[%get3A_250], %broadcast_in_dim3A_41 {add = true} : memref<10240xf32, #tpu.memory_space<vmem>>[vector<16xi32>], vector<16xf32>,
    %get3A_251 = arith.constant 76 : i32
    %get3A_252 = arith.index_cast %get3A_251 : i32 to index
    %get3A_253 = arith.constant 16 : index
    %get3A_254 = tpu.vector_load %arg8[%get3A_252, %get3A_253] {strides = array<i32>} : memref<79x128xi32, #tpu.memory_space<vmem>>, vector<16xi32>,
    tpu.vector_store_idx %arg16[%get3A_254], %broadcast_in_dim3A_41 {add = true} : memref<10240xf32, #tpu.memory_space<vmem>>[vector<16xi32>], vector<16xf32>,
    %get3A_255 = arith.constant 76 : i32
    %get3A_256 = arith.index_cast %get3A_255 : i32 to index
    %get3A_257 = arith.constant 32 : index
    %get3A_258 = tpu.vector_load %arg8[%get3A_256, %get3A_257] {strides = array<i32>} : memref<79x128xi32, #tpu.memory_space<vmem>>, vector<16xi32>,
    tpu.vector_store_idx %arg16[%get3A_258], %broadcast_in_dim3A_41 {add = true} : memref<10240xf32, #tpu.memory_space<vmem>>[vector<16xi32>], vector<16xf32>,
    %get3A_259 = arith.constant 76 : i32
    %get3A_260 = arith.index_cast %get3A_259 : i32 to index
    %get3A_261 = arith.constant 48 : index
    %get3A_262 = tpu.vector_load %arg8[%get3A_260, %get3A_261] {strides = array<i32>} : memref<79x128xi32, #tpu.memory_space<vmem>>, vector<16xi32>,
    tpu.vector_store_idx %arg16[%get3A_262], %broadcast_in_dim3A_41 {add = true} : memref<10240xf32, #tpu.memory_space<vmem>>[vector<16xi32>], vector<16xf32>,
    %get3A_263 = arith.constant 76 : i32
    %get3A_264 = arith.index_cast %get3A_263 : i32 to index
    %get3A_265 = arith.constant 64 : index
    %get3A_266 = tpu.vector_load %arg8[%get3A_264, %get3A_265] {strides = array<i32>} : memref<79x128xi32, #tpu.memory_space<vmem>>, vector<16xi32>,
    tpu.vector_store_idx %arg16[%get3A_266], %broadcast_in_dim3A_41 {add = true} : memref<10240xf32, #tpu.memory_space<vmem>>[vector<16xi32>], vector<16xf32>,
    %get3A_267 = arith.constant 76 : i32
    %get3A_268 = arith.index_cast %get3A_267 : i32 to index
    %get3A_269 = arith.constant 80 : index
    %get3A_270 = tpu.vector_load %arg8[%get3A_268, %get3A_269] {strides = array<i32>} : memref<79x128xi32, #tpu.memory_space<vmem>>, vector<16xi32>,
    tpu.vector_store_idx %arg16[%get3A_270], %broadcast_in_dim3A_41 {add = true} : memref<10240xf32, #tpu.memory_space<vmem>>[vector<16xi32>], vector<16xf32>,
    %get3A_271 = arith.constant 76 : i32
    %get3A_272 = arith.index_cast %get3A_271 : i32 to index
    %get3A_273 = arith.constant 96 : index
    %get3A_274 = tpu.vector_load %arg8[%get3A_272, %get3A_273] {strides = array<i32>} : memref<79x128xi32, #tpu.memory_space<vmem>>, vector<16xi32>,
    tpu.vector_store_idx %arg16[%get3A_274], %broadcast_in_dim3A_41 {add = true} : memref<10240xf32, #tpu.memory_space<vmem>>[vector<16xi32>], vector<16xf32>,
    %get3A_275 = arith.constant 76 : i32
    %get3A_276 = arith.index_cast %get3A_275 : i32 to index
    %get3A_277 = arith.constant 112 : index
    %get3A_278 = tpu.vector_load %arg8[%get3A_276, %get3A_277] {strides = array<i32>} : memref<79x128xi32, #tpu.memory_space<vmem>>, vector<16xi32>,
    tpu.vector_store_idx %arg16[%get3A_278], %broadcast_in_dim3A_41 {add = true} : memref<10240xf32, #tpu.memory_space<vmem>>[vector<16xi32>], vector<16xf32>,
    %dma_wait3A_279 = arith.constant 76 : i32
    %dma_wait3A_280 = arith.constant 0 : i32
    %dma_wait3A_281 = tpu.memref_slice %arg7[%dma_wait3A_279, %dma_wait3A_280] : memref<79x128xi32, #tpu.memory_space<vmem>> -> memref<1x128xi32, #tpu.memory_space<vmem>>
    %dma_wait3A_282 = tpu.memref_squeeze %dma_wait3A_281 : memref<1x128xi32, #tpu.memory_space<vmem>> -> memref<128xi32, #tpu.memory_space<vmem>>
    %dma_wait3A_283 = arith.constant 0 : i32
    %dma_wait3A_284 = arith.constant 0 : i32
    %dma_wait3A_285 = tpu.memref_slice %arg2[%dma_wait3A_283, %dma_wait3A_284] : memref<10000x128xbf16, #tpu.memory_space<hbm>> -> memref<10000x128xbf16, #tpu.memory_space<hbm>>
    tpu.wait_indirect_dma semaphore(%arg22 : memref<!tpu.dma_semaphore, #tpu.memory_space<semaphore_mem>>) src(%dma_wait3A_285 : memref<10000x128xbf16, #tpu.memory_space<hbm>>) dst(%arg13 : memref<128x128xbf16, #tpu.memory_space<vmem>>)
    %run_scoped3A_286 = arith.constant 76 : i32
    "tpu.region"() ({
      %run_scoped3A_344 = tpu.sem_alloc : memref<!tpu.dma_semaphore, #tpu.memory_space<semaphore_mem>>
      %dma_start3A_345 = arith.constant 0 : i32
      %dma_start3A_346 = tpu.memref_slice %arg8[%run_scoped3A_286, %dma_start3A_345] : memref<79x128xi32, #tpu.memory_space<vmem>> -> memref<1x128xi32, #tpu.memory_space<vmem>>
      %dma_start3A_347 = tpu.memref_squeeze %dma_start3A_346 : memref<1x128xi32, #tpu.memory_space<vmem>> -> memref<128xi32, #tpu.memory_space<vmem>>
      %dma_start3A_348 = arith.constant 0 : i32
      %dma_start3A_349 = arith.constant 0 : i32
      %dma_start3A_350 = tpu.memref_slice %arg17[%dma_start3A_348, %dma_start3A_349] : memref<10240x128xbf16, #tpu.memory_space<vmem_shared>> -> memref<10240x128xbf16, #tpu.memory_space<vmem_shared>>
      tpu.enqueue_indirect_dma source(%arg13 : memref<128x128xbf16, #tpu.memory_space<vmem>>) target(%dma_start3A_350 : memref<10240x128xbf16, #tpu.memory_space<vmem_shared>>) offsets(%dma_start3A_347 : memref<128xi32, #tpu.memory_space<vmem>>) semaphore(%run_scoped3A_344 : memref<!tpu.dma_semaphore, #tpu.memory_space<semaphore_mem>>) {add = true}
      %dma_wait3A_351 = arith.constant 0 : i32
      %dma_wait3A_352 = tpu.memref_slice %arg8[%run_scoped3A_286, %dma_wait3A_351] : memref<79x128xi32, #tpu.memory_space<vmem>> -> memref<1x128xi32, #tpu.memory_space<vmem>>
      %dma_wait3A_353 = tpu.memref_squeeze %dma_wait3A_352 : memref<1x128xi32, #tpu.memory_space<vmem>> -> memref<128xi32, #tpu.memory_space<vmem>>
      %dma_wait3A_354 = arith.constant 0 : i32
      %dma_wait3A_355 = arith.constant 0 : i32
      %dma_wait3A_356 = tpu.memref_slice %arg17[%dma_wait3A_354, %dma_wait3A_355] : memref<10240x128xbf16, #tpu.memory_space<vmem_shared>> -> memref<10240x128xbf16, #tpu.memory_space<vmem_shared>>
      tpu.wait_indirect_dma semaphore(%run_scoped3A_344 : memref<!tpu.dma_semaphore, #tpu.memory_space<semaphore_mem>>) src(%arg13 : memref<128x128xbf16, #tpu.memory_space<vmem>>) dst(%dma_wait3A_356 : memref<10240x128xbf16, #tpu.memory_space<vmem_shared>>)
      tpu.yield
    }) : () -> ()
    %get3A_287 = arith.constant 77 : i32
    %get3A_288 = arith.index_cast %get3A_287 : i32 to index
    %get3A_289 = arith.constant 0 : index
    %get3A_290 = tpu.vector_load %arg8[%get3A_288, %get3A_289] {strides = array<i32>} : memref<79x128xi32, #tpu.memory_space<vmem>>, vector<16xi32>,
    tpu.vector_store_idx %arg16[%get3A_290], %broadcast_in_dim3A_41 {add = true} : memref<10240xf32, #tpu.memory_space<vmem>>[vector<16xi32>], vector<16xf32>,
    %get3A_291 = arith.constant 77 : i32
    %get3A_292 = arith.index_cast %get3A_291 : i32 to index
    %get3A_293 = arith.constant 16 : index
    %get3A_294 = tpu.vector_load %arg8[%get3A_292, %get3A_293] {strides = array<i32>} : memref<79x128xi32, #tpu.memory_space<vmem>>, vector<16xi32>,
    tpu.vector_store_idx %arg16[%get3A_294], %broadcast_in_dim3A_41 {add = true} : memref<10240xf32, #tpu.memory_space<vmem>>[vector<16xi32>], vector<16xf32>,
    %get3A_295 = arith.constant 77 : i32
    %get3A_296 = arith.index_cast %get3A_295 : i32 to index
    %get3A_297 = arith.constant 32 : index
    %get3A_298 = tpu.vector_load %arg8[%get3A_296, %get3A_297] {strides = array<i32>} : memref<79x128xi32, #tpu.memory_space<vmem>>, vector<16xi32>,
    tpu.vector_store_idx %arg16[%get3A_298], %broadcast_in_dim3A_41 {add = true} : memref<10240xf32, #tpu.memory_space<vmem>>[vector<16xi32>], vector<16xf32>,
    %get3A_299 = arith.constant 77 : i32
    %get3A_300 = arith.index_cast %get3A_299 : i32 to index
    %get3A_301 = arith.constant 48 : index
    %get3A_302 = tpu.vector_load %arg8[%get3A_300, %get3A_301] {strides = array<i32>} : memref<79x128xi32, #tpu.memory_space<vmem>>, vector<16xi32>,
    tpu.vector_store_idx %arg16[%get3A_302], %broadcast_in_dim3A_41 {add = true} : memref<10240xf32, #tpu.memory_space<vmem>>[vector<16xi32>], vector<16xf32>,
    %get3A_303 = arith.constant 77 : i32
    %get3A_304 = arith.index_cast %get3A_303 : i32 to index
    %get3A_305 = arith.constant 64 : index
    %get3A_306 = tpu.vector_load %arg8[%get3A_304, %get3A_305] {strides = array<i32>} : memref<79x128xi32, #tpu.memory_space<vmem>>, vector<16xi32>,
    tpu.vector_store_idx %arg16[%get3A_306], %broadcast_in_dim3A_41 {add = true} : memref<10240xf32, #tpu.memory_space<vmem>>[vector<16xi32>], vector<16xf32>,
    %get3A_307 = arith.constant 77 : i32
    %get3A_308 = arith.index_cast %get3A_307 : i32 to index
    %get3A_309 = arith.constant 80 : index
    %get3A_310 = tpu.vector_load %arg8[%get3A_308, %get3A_309] {strides = array<i32>} : memref<79x128xi32, #tpu.memory_space<vmem>>, vector<16xi32>,
    tpu.vector_store_idx %arg16[%get3A_310], %broadcast_in_dim3A_41 {add = true} : memref<10240xf32, #tpu.memory_space<vmem>>[vector<16xi32>], vector<16xf32>,
    %get3A_311 = arith.constant 77 : i32
    %get3A_312 = arith.index_cast %get3A_311 : i32 to index
    %get3A_313 = arith.constant 96 : index
    %get3A_314 = tpu.vector_load %arg8[%get3A_312, %get3A_313] {strides = array<i32>} : memref<79x128xi32, #tpu.memory_space<vmem>>, vector<16xi32>,
    tpu.vector_store_idx %arg16[%get3A_314], %broadcast_in_dim3A_41 {add = true} : memref<10240xf32, #tpu.memory_space<vmem>>[vector<16xi32>], vector<16xf32>,
    %get3A_315 = arith.constant 77 : i32
    %get3A_316 = arith.index_cast %get3A_315 : i32 to index
    %get3A_317 = arith.constant 112 : index
    %get3A_318 = tpu.vector_load %arg8[%get3A_316, %get3A_317] {strides = array<i32>} : memref<79x128xi32, #tpu.memory_space<vmem>>, vector<16xi32>,
    tpu.vector_store_idx %arg16[%get3A_318], %broadcast_in_dim3A_41 {add = true} : memref<10240xf32, #tpu.memory_space<vmem>>[vector<16xi32>], vector<16xf32>,
    %dma_wait3A_319 = arith.constant 77 : i32
    %dma_wait3A_320 = arith.constant 0 : i32
    %dma_wait3A_321 = tpu.memref_slice %arg7[%dma_wait3A_319, %dma_wait3A_320] : memref<79x128xi32, #tpu.memory_space<vmem>> -> memref<1x128xi32, #tpu.memory_space<vmem>>
    %dma_wait3A_322 = tpu.memref_squeeze %dma_wait3A_321 : memref<1x128xi32, #tpu.memory_space<vmem>> -> memref<128xi32, #tpu.memory_space<vmem>>
    %dma_wait3A_323 = arith.constant 0 : i32
    %dma_wait3A_324 = arith.constant 0 : i32
    %dma_wait3A_325 = tpu.memref_slice %arg2[%dma_wait3A_323, %dma_wait3A_324] : memref<10000x128xbf16, #tpu.memory_space<hbm>> -> memref<10000x128xbf16, #tpu.memory_space<hbm>>
    tpu.wait_indirect_dma semaphore(%arg23 : memref<!tpu.dma_semaphore, #tpu.memory_space<semaphore_mem>>) src(%dma_wait3A_325 : memref<10000x128xbf16, #tpu.memory_space<hbm>>) dst(%arg14 : memref<128x128xbf16, #tpu.memory_space<vmem>>)
    %run_scoped3A_326 = arith.constant 77 : i32
    "tpu.region"() ({
      %run_scoped3A_344 = tpu.sem_alloc : memref<!tpu.dma_semaphore, #tpu.memory_space<semaphore_mem>>
      %dma_start3A_345 = arith.constant 0 : i32
      %dma_start3A_346 = tpu.memref_slice %arg8[%run_scoped3A_326, %dma_start3A_345] : memref<79x128xi32, #tpu.memory_space<vmem>> -> memref<1x128xi32, #tpu.memory_space<vmem>>
      %dma_start3A_347 = tpu.memref_squeeze %dma_start3A_346 : memref<1x128xi32, #tpu.memory_space<vmem>> -> memref<128xi32, #tpu.memory_space<vmem>>
      %dma_start3A_348 = arith.constant 0 : i32
      %dma_start3A_349 = arith.constant 0 : i32
      %dma_start3A_350 = tpu.memref_slice %arg17[%dma_start3A_348, %dma_start3A_349] : memref<10240x128xbf16, #tpu.memory_space<vmem_shared>> -> memref<10240x128xbf16, #tpu.memory_space<vmem_shared>>
      tpu.enqueue_indirect_dma source(%arg14 : memref<128x128xbf16, #tpu.memory_space<vmem>>) target(%dma_start3A_350 : memref<10240x128xbf16, #tpu.memory_space<vmem_shared>>) offsets(%dma_start3A_347 : memref<128xi32, #tpu.memory_space<vmem>>) semaphore(%run_scoped3A_344 : memref<!tpu.dma_semaphore, #tpu.memory_space<semaphore_mem>>) {add = true}
      %dma_wait3A_351 = arith.constant 0 : i32
      %dma_wait3A_352 = tpu.memref_slice %arg8[%run_scoped3A_326, %dma_wait3A_351] : memref<79x128xi32, #tpu.memory_space<vmem>> -> memref<1x128xi32, #tpu.memory_space<vmem>>
      %dma_wait3A_353 = tpu.memref_squeeze %dma_wait3A_352 : memref<1x128xi32, #tpu.memory_space<vmem>> -> memref<128xi32, #tpu.memory_space<vmem>>
      %dma_wait3A_354 = arith.constant 0 : i32
      %dma_wait3A_355 = arith.constant 0 : i32
      %dma_wait3A_356 = tpu.memref_slice %arg17[%dma_wait3A_354, %dma_wait3A_355] : memref<10240x128xbf16, #tpu.memory_space<vmem_shared>> -> memref<10240x128xbf16, #tpu.memory_space<vmem_shared>>
      tpu.wait_indirect_dma semaphore(%run_scoped3A_344 : memref<!tpu.dma_semaphore, #tpu.memory_space<semaphore_mem>>) src(%arg14 : memref<128x128xbf16, #tpu.memory_space<vmem>>) dst(%dma_wait3A_356 : memref<10240x128xbf16, #tpu.memory_space<vmem_shared>>)
      tpu.yield
    }) : () -> ()
    %while3A = arith.constant 78 : i32
    %while3A_327 = arith.constant 0 : i32
    %while3A_328 = arith.subi %add3A_5, %while3A : i32
    %while3A_329 = arith.addi %while3A, %while3A_328 : i32
    %while3A_330 = arith.constant 1 : i32
    %while3A_331 = arith.divsi %while3A_328, %while3A_330 : i32
    %while3A_332 = arith.muli %while3A_331, %while3A_330 : i32
    %while3A_333 = arith.addi %while3A, %while3A_332 : i32
    %while3A_334 = arith.constant 1 : i32
    %while3A_335 = scf.for %while3A_344 = %while3A to %while3A_333 step %while3A_334 iter_args(%while3A_345 = %while3A_327) -> (i32)  : i32 {
      %get3A_346 = arith.index_cast %while3A_344 : i32 to index
      %get3A_347 = arith.constant 0 : index
      %get3A_348 = tpu.vector_load %arg8[%get3A_346, %get3A_347] {strides = array<i32>} : memref<79x128xi32, #tpu.memory_space<vmem>>, vector<16xi32>,
      tpu.vector_store_idx %arg16[%get3A_348], %broadcast_in_dim3A_41 {add = true} : memref<10240xf32, #tpu.memory_space<vmem>>[vector<16xi32>], vector<16xf32>,
      %get3A_349 = arith.index_cast %while3A_344 : i32 to index
      %get3A_350 = arith.constant 16 : index
      %get3A_351 = tpu.vector_load %arg8[%get3A_349, %get3A_350] {strides = array<i32>} : memref<79x128xi32, #tpu.memory_space<vmem>>, vector<16xi32>,
      tpu.vector_store_idx %arg16[%get3A_351], %broadcast_in_dim3A_41 {add = true} : memref<10240xf32, #tpu.memory_space<vmem>>[vector<16xi32>], vector<16xf32>,
      %get3A_352 = arith.index_cast %while3A_344 : i32 to index
      %get3A_353 = arith.constant 32 : index
      %get3A_354 = tpu.vector_load %arg8[%get3A_352, %get3A_353] {strides = array<i32>} : memref<79x128xi32, #tpu.memory_space<vmem>>, vector<16xi32>,
      tpu.vector_store_idx %arg16[%get3A_354], %broadcast_in_dim3A_41 {add = true} : memref<10240xf32, #tpu.memory_space<vmem>>[vector<16xi32>], vector<16xf32>,
      %get3A_355 = arith.index_cast %while3A_344 : i32 to index
      %get3A_356 = arith.constant 48 : index
      %get3A_357 = tpu.vector_load %arg8[%get3A_355, %get3A_356] {strides = array<i32>} : memref<79x128xi32, #tpu.memory_space<vmem>>, vector<16xi32>,
      tpu.vector_store_idx %arg16[%get3A_357], %broadcast_in_dim3A_41 {add = true} : memref<10240xf32, #tpu.memory_space<vmem>>[vector<16xi32>], vector<16xf32>,
      %get3A_358 = arith.index_cast %while3A_344 : i32 to index
      %get3A_359 = arith.constant 64 : index
      %get3A_360 = tpu.vector_load %arg8[%get3A_358, %get3A_359] {strides = array<i32>} : memref<79x128xi32, #tpu.memory_space<vmem>>, vector<16xi32>,
      tpu.vector_store_idx %arg16[%get3A_360], %broadcast_in_dim3A_41 {add = true} : memref<10240xf32, #tpu.memory_space<vmem>>[vector<16xi32>], vector<16xf32>,
      %get3A_361 = arith.index_cast %while3A_344 : i32 to index
      %get3A_362 = arith.constant 80 : index
      %get3A_363 = tpu.vector_load %arg8[%get3A_361, %get3A_362] {strides = array<i32>} : memref<79x128xi32, #tpu.memory_space<vmem>>, vector<16xi32>,
      tpu.vector_store_idx %arg16[%get3A_363], %broadcast_in_dim3A_41 {add = true} : memref<10240xf32, #tpu.memory_space<vmem>>[vector<16xi32>], vector<16xf32>,
      %get3A_364 = arith.index_cast %while3A_344 : i32 to index
      %get3A_365 = arith.constant 96 : index
      %get3A_366 = tpu.vector_load %arg8[%get3A_364, %get3A_365] {strides = array<i32>} : memref<79x128xi32, #tpu.memory_space<vmem>>, vector<16xi32>,
      tpu.vector_store_idx %arg16[%get3A_366], %broadcast_in_dim3A_41 {add = true} : memref<10240xf32, #tpu.memory_space<vmem>>[vector<16xi32>], vector<16xf32>,
      %get3A_367 = arith.index_cast %while3A_344 : i32 to index
      %get3A_368 = arith.constant 112 : index
      %get3A_369 = tpu.vector_load %arg8[%get3A_367, %get3A_368] {strides = array<i32>} : memref<79x128xi32, #tpu.memory_space<vmem>>, vector<16xi32>,
      tpu.vector_store_idx %arg16[%get3A_369], %broadcast_in_dim3A_41 {add = true} : memref<10240xf32, #tpu.memory_space<vmem>>[vector<16xi32>], vector<16xf32>,
      %dma_start3A_370 = arith.constant 0 : i32
      %dma_start3A_371 = tpu.memref_slice %arg7[%while3A_344, %dma_start3A_370] : memref<79x128xi32, #tpu.memory_space<vmem>> -> memref<1x128xi32, #tpu.memory_space<vmem>>
      %dma_start3A_372 = tpu.memref_squeeze %dma_start3A_371 : memref<1x128xi32, #tpu.memory_space<vmem>> -> memref<128xi32, #tpu.memory_space<vmem>>
      %dma_start3A_373 = arith.constant 0 : i32
      %dma_start3A_374 = arith.constant 0 : i32
      %dma_start3A_375 = tpu.memref_slice %arg2[%dma_start3A_373, %dma_start3A_374] : memref<10000x128xbf16, #tpu.memory_space<hbm>> -> memref<10000x128xbf16, #tpu.memory_space<hbm>>
      tpu.enqueue_indirect_dma source(%dma_start3A_375 : memref<10000x128xbf16, #tpu.memory_space<hbm>>) target(%arg9 : memref<128x128xbf16, #tpu.memory_space<vmem>>) offsets(%dma_start3A_372 : memref<128xi32, #tpu.memory_space<vmem>>) semaphore(%arg18 : memref<!tpu.dma_semaphore, #tpu.memory_space<semaphore_mem>>)
      %dma_wait3A_376 = arith.constant 0 : i32
      %dma_wait3A_377 = tpu.memref_slice %arg7[%while3A_344, %dma_wait3A_376] : memref<79x128xi32, #tpu.memory_space<vmem>> -> memref<1x128xi32, #tpu.memory_space<vmem>>
      %dma_wait3A_378 = tpu.memref_squeeze %dma_wait3A_377 : memref<1x128xi32, #tpu.memory_space<vmem>> -> memref<128xi32, #tpu.memory_space<vmem>>
      %dma_wait3A_379 = arith.constant 0 : i32
      %dma_wait3A_380 = arith.constant 0 : i32
      %dma_wait3A_381 = tpu.memref_slice %arg2[%dma_wait3A_379, %dma_wait3A_380] : memref<10000x128xbf16, #tpu.memory_space<hbm>> -> memref<10000x128xbf16, #tpu.memory_space<hbm>>
      tpu.wait_indirect_dma semaphore(%arg18 : memref<!tpu.dma_semaphore, #tpu.memory_space<semaphore_mem>>) src(%dma_wait3A_381 : memref<10000x128xbf16, #tpu.memory_space<hbm>>) dst(%arg9 : memref<128x128xbf16, #tpu.memory_space<vmem>>)
      "tpu.region"() ({
        %run_scoped3A_383 = tpu.sem_alloc : memref<!tpu.dma_semaphore, #tpu.memory_space<semaphore_mem>>
        %dma_start3A_384 = arith.constant 0 : i32
        %dma_start3A_385 = tpu.memref_slice %arg8[%while3A_344, %dma_start3A_384] : memref<79x128xi32, #tpu.memory_space<vmem>> -> memref<1x128xi32, #tpu.memory_space<vmem>>
        %dma_start3A_386 = tpu.memref_squeeze %dma_start3A_385 : memref<1x128xi32, #tpu.memory_space<vmem>> -> memref<128xi32, #tpu.memory_space<vmem>>
        %dma_start3A_387 = arith.constant 0 : i32
        %dma_start3A_388 = arith.constant 0 : i32
        %dma_start3A_389 = tpu.memref_slice %arg17[%dma_start3A_387, %dma_start3A_388] : memref<10240x128xbf16, #tpu.memory_space<vmem_shared>> -> memref<10240x128xbf16, #tpu.memory_space<vmem_shared>>
        tpu.enqueue_indirect_dma source(%arg9 : memref<128x128xbf16, #tpu.memory_space<vmem>>) target(%dma_start3A_389 : memref<10240x128xbf16, #tpu.memory_space<vmem_shared>>) offsets(%dma_start3A_386 : memref<128xi32, #tpu.memory_space<vmem>>) semaphore(%run_scoped3A_383 : memref<!tpu.dma_semaphore, #tpu.memory_space<semaphore_mem>>) {add = true}
        %dma_wait3A_390 = arith.constant 0 : i32
        %dma_wait3A_391 = tpu.memref_slice %arg8[%while3A_344, %dma_wait3A_390] : memref<79x128xi32, #tpu.memory_space<vmem>> -> memref<1x128xi32, #tpu.memory_space<vmem>>
        %dma_wait3A_392 = tpu.memref_squeeze %dma_wait3A_391 : memref<1x128xi32, #tpu.memory_space<vmem>> -> memref<128xi32, #tpu.memory_space<vmem>>
        %dma_wait3A_393 = arith.constant 0 : i32
        %dma_wait3A_394 = arith.constant 0 : i32
        %dma_wait3A_395 = tpu.memref_slice %arg17[%dma_wait3A_393, %dma_wait3A_394] : memref<10240x128xbf16, #tpu.memory_space<vmem_shared>> -> memref<10240x128xbf16, #tpu.memory_space<vmem_shared>>
        tpu.wait_indirect_dma semaphore(%run_scoped3A_383 : memref<!tpu.dma_semaphore, #tpu.memory_space<semaphore_mem>>) src(%arg9 : memref<128x128xbf16, #tpu.memory_space<vmem>>) dst(%dma_wait3A_395 : memref<10240x128xbf16, #tpu.memory_space<vmem_shared>>)
        tpu.yield
      }) : () -> ()
      %while3A_382 = arith.constant 0 : i32
      scf.yield %while3A_382 : i32
    }
    %while3A_336 = arith.constant 1 : i32
    %while3A_337 = scf.for %while3A_344 = %while3A_333 to %while3A_329 step %while3A_336 iter_args(%while3A_345 = %while3A_335) -> (i32)  : i32 {
      %get3A_346 = arith.index_cast %while3A_344 : i32 to index
      %get3A_347 = arith.constant 0 : index
      %get3A_348 = tpu.vector_load %arg8[%get3A_346, %get3A_347] {strides = array<i32>} : memref<79x128xi32, #tpu.memory_space<vmem>>, vector<16xi32>,
      tpu.vector_store_idx %arg16[%get3A_348], %broadcast_in_dim3A_41 {add = true} : memref<10240xf32, #tpu.memory_space<vmem>>[vector<16xi32>], vector<16xf32>,
      %get3A_349 = arith.index_cast %while3A_344 : i32 to index
      %get3A_350 = arith.constant 16 : index
      %get3A_351 = tpu.vector_load %arg8[%get3A_349, %get3A_350] {strides = array<i32>} : memref<79x128xi32, #tpu.memory_space<vmem>>, vector<16xi32>,
      tpu.vector_store_idx %arg16[%get3A_351], %broadcast_in_dim3A_41 {add = true} : memref<10240xf32, #tpu.memory_space<vmem>>[vector<16xi32>], vector<16xf32>,
      %get3A_352 = arith.index_cast %while3A_344 : i32 to index
      %get3A_353 = arith.constant 32 : index
      %get3A_354 = tpu.vector_load %arg8[%get3A_352, %get3A_353] {strides = array<i32>} : memref<79x128xi32, #tpu.memory_space<vmem>>, vector<16xi32>,
      tpu.vector_store_idx %arg16[%get3A_354], %broadcast_in_dim3A_41 {add = true} : memref<10240xf32, #tpu.memory_space<vmem>>[vector<16xi32>], vector<16xf32>,
      %get3A_355 = arith.index_cast %while3A_344 : i32 to index
      %get3A_356 = arith.constant 48 : index
      %get3A_357 = tpu.vector_load %arg8[%get3A_355, %get3A_356] {strides = array<i32>} : memref<79x128xi32, #tpu.memory_space<vmem>>, vector<16xi32>,
      tpu.vector_store_idx %arg16[%get3A_357], %broadcast_in_dim3A_41 {add = true} : memref<10240xf32, #tpu.memory_space<vmem>>[vector<16xi32>], vector<16xf32>,
      %get3A_358 = arith.index_cast %while3A_344 : i32 to index
      %get3A_359 = arith.constant 64 : index
      %get3A_360 = tpu.vector_load %arg8[%get3A_358, %get3A_359] {strides = array<i32>} : memref<79x128xi32, #tpu.memory_space<vmem>>, vector<16xi32>,
      tpu.vector_store_idx %arg16[%get3A_360], %broadcast_in_dim3A_41 {add = true} : memref<10240xf32, #tpu.memory_space<vmem>>[vector<16xi32>], vector<16xf32>,
      %get3A_361 = arith.index_cast %while3A_344 : i32 to index
      %get3A_362 = arith.constant 80 : index
      %get3A_363 = tpu.vector_load %arg8[%get3A_361, %get3A_362] {strides = array<i32>} : memref<79x128xi32, #tpu.memory_space<vmem>>, vector<16xi32>,
      tpu.vector_store_idx %arg16[%get3A_363], %broadcast_in_dim3A_41 {add = true} : memref<10240xf32, #tpu.memory_space<vmem>>[vector<16xi32>], vector<16xf32>,
      %get3A_364 = arith.index_cast %while3A_344 : i32 to index
      %get3A_365 = arith.constant 96 : index
      %get3A_366 = tpu.vector_load %arg8[%get3A_364, %get3A_365] {strides = array<i32>} : memref<79x128xi32, #tpu.memory_space<vmem>>, vector<16xi32>,
      tpu.vector_store_idx %arg16[%get3A_366], %broadcast_in_dim3A_41 {add = true} : memref<10240xf32, #tpu.memory_space<vmem>>[vector<16xi32>], vector<16xf32>,
      %get3A_367 = arith.index_cast %while3A_344 : i32 to index
      %get3A_368 = arith.constant 112 : index
      %get3A_369 = tpu.vector_load %arg8[%get3A_367, %get3A_368] {strides = array<i32>} : memref<79x128xi32, #tpu.memory_space<vmem>>, vector<16xi32>,
      tpu.vector_store_idx %arg16[%get3A_369], %broadcast_in_dim3A_41 {add = true} : memref<10240xf32, #tpu.memory_space<vmem>>[vector<16xi32>], vector<16xf32>,
      %dma_start3A_370 = arith.constant 0 : i32
      %dma_start3A_371 = tpu.memref_slice %arg7[%while3A_344, %dma_start3A_370] : memref<79x128xi32, #tpu.memory_space<vmem>> -> memref<1x128xi32, #tpu.memory_space<vmem>>
      %dma_start3A_372 = tpu.memref_squeeze %dma_start3A_371 : memref<1x128xi32, #tpu.memory_space<vmem>> -> memref<128xi32, #tpu.memory_space<vmem>>
      %dma_start3A_373 = arith.constant 0 : i32
      %dma_start3A_374 = arith.constant 0 : i32
      %dma_start3A_375 = tpu.memref_slice %arg2[%dma_start3A_373, %dma_start3A_374] : memref<10000x128xbf16, #tpu.memory_space<hbm>> -> memref<10000x128xbf16, #tpu.memory_space<hbm>>
      tpu.enqueue_indirect_dma source(%dma_start3A_375 : memref<10000x128xbf16, #tpu.memory_space<hbm>>) target(%arg9 : memref<128x128xbf16, #tpu.memory_space<vmem>>) offsets(%dma_start3A_372 : memref<128xi32, #tpu.memory_space<vmem>>) semaphore(%arg18 : memref<!tpu.dma_semaphore, #tpu.memory_space<semaphore_mem>>)
      %dma_wait3A_376 = arith.constant 0 : i32
      %dma_wait3A_377 = tpu.memref_slice %arg7[%while3A_344, %dma_wait3A_376] : memref<79x128xi32, #tpu.memory_space<vmem>> -> memref<1x128xi32, #tpu.memory_space<vmem>>
      %dma_wait3A_378 = tpu.memref_squeeze %dma_wait3A_377 : memref<1x128xi32, #tpu.memory_space<vmem>> -> memref<128xi32, #tpu.memory_space<vmem>>
      %dma_wait3A_379 = arith.constant 0 : i32
      %dma_wait3A_380 = arith.constant 0 : i32
      %dma_wait3A_381 = tpu.memref_slice %arg2[%dma_wait3A_379, %dma_wait3A_380] : memref<10000x128xbf16, #tpu.memory_space<hbm>> -> memref<10000x128xbf16, #tpu.memory_space<hbm>>
      tpu.wait_indirect_dma semaphore(%arg18 : memref<!tpu.dma_semaphore, #tpu.memory_space<semaphore_mem>>) src(%dma_wait3A_381 : memref<10000x128xbf16, #tpu.memory_space<hbm>>) dst(%arg9 : memref<128x128xbf16, #tpu.memory_space<vmem>>)
      "tpu.region"() ({
        %run_scoped3A_383 = tpu.sem_alloc : memref<!tpu.dma_semaphore, #tpu.memory_space<semaphore_mem>>
        %dma_start3A_384 = arith.constant 0 : i32
        %dma_start3A_385 = tpu.memref_slice %arg8[%while3A_344, %dma_start3A_384] : memref<79x128xi32, #tpu.memory_space<vmem>> -> memref<1x128xi32, #tpu.memory_space<vmem>>
        %dma_start3A_386 = tpu.memref_squeeze %dma_start3A_385 : memref<1x128xi32, #tpu.memory_space<vmem>> -> memref<128xi32, #tpu.memory_space<vmem>>
        %dma_start3A_387 = arith.constant 0 : i32
        %dma_start3A_388 = arith.constant 0 : i32
        %dma_start3A_389 = tpu.memref_slice %arg17[%dma_start3A_387, %dma_start3A_388] : memref<10240x128xbf16, #tpu.memory_space<vmem_shared>> -> memref<10240x128xbf16, #tpu.memory_space<vmem_shared>>
        tpu.enqueue_indirect_dma source(%arg9 : memref<128x128xbf16, #tpu.memory_space<vmem>>) target(%dma_start3A_389 : memref<10240x128xbf16, #tpu.memory_space<vmem_shared>>) offsets(%dma_start3A_386 : memref<128xi32, #tpu.memory_space<vmem>>) semaphore(%run_scoped3A_383 : memref<!tpu.dma_semaphore, #tpu.memory_space<semaphore_mem>>) {add = true}
        %dma_wait3A_390 = arith.constant 0 : i32
        %dma_wait3A_391 = tpu.memref_slice %arg8[%while3A_344, %dma_wait3A_390] : memref<79x128xi32, #tpu.memory_space<vmem>> -> memref<1x128xi32, #tpu.memory_space<vmem>>
        %dma_wait3A_392 = tpu.memref_squeeze %dma_wait3A_391 : memref<1x128xi32, #tpu.memory_space<vmem>> -> memref<128xi32, #tpu.memory_space<vmem>>
        %dma_wait3A_393 = arith.constant 0 : i32
        %dma_wait3A_394 = arith.constant 0 : i32
        %dma_wait3A_395 = tpu.memref_slice %arg17[%dma_wait3A_393, %dma_wait3A_394] : memref<10240x128xbf16, #tpu.memory_space<vmem_shared>> -> memref<10240x128xbf16, #tpu.memory_space<vmem_shared>>
        tpu.wait_indirect_dma semaphore(%run_scoped3A_383 : memref<!tpu.dma_semaphore, #tpu.memory_space<semaphore_mem>>) src(%arg9 : memref<128x128xbf16, #tpu.memory_space<vmem>>) dst(%dma_wait3A_395 : memref<10240x128xbf16, #tpu.memory_space<vmem_shared>>)
        tpu.yield
      }) : () -> ()
      %while3A_382 = arith.constant 0 : i32
      scf.yield %while3A_382 : i32
    }
    %run_scoped3A_338 = arith.constant 0 : i32
    "tpu.region"() ({
      %run_scoped3A_344 = tpu.sem_alloc : memref<!tpu.dma_semaphore, #tpu.memory_space<semaphore_mem>>
      %dma_start3A_345 = arith.constant 0 : i32
      %dma_start3A_346 = tpu.memref_slice %arg16[%dma_start3A_345] : memref<10240xf32, #tpu.memory_space<vmem>> -> memref<2000xf32, #tpu.memory_space<vmem>>
      %dma_start3A_347 = arith.constant 0 : i32
      %dma_start3A_348 = tpu.memref_slice %arg6[%run_scoped3A_338, %add3A, %dma_start3A_347] : memref<5x32x2000xf32, #tpu.memory_space<hbm>> -> memref<1x1x2000xf32, #tpu.memory_space<hbm>>
      %dma_start3A_349 = tpu.memref_squeeze %dma_start3A_348 : memref<1x1x2000xf32, #tpu.memory_space<hbm>> -> memref<2000xf32, #tpu.memory_space<hbm>>
      %dma_start3A_350 = arith.constant 0 : i32
      %dma_start3A_351 = tpu.memref_slice %arg6[%run_scoped3A_338, %add3A, %dma_start3A_350] : memref<5x32x2000xf32, #tpu.memory_space<hbm>> -> memref<1x1x2000xf32, #tpu.memory_space<hbm>>
      %dma_start3A_352 = tpu.memref_squeeze %dma_start3A_351 : memref<1x1x2000xf32, #tpu.memory_space<hbm>> -> memref<2000xf32, #tpu.memory_space<hbm>>
      %dma_start3A_353 = arith.constant 0 : i32
      %dma_start3A_354 = tpu.memref_slice %arg16[%dma_start3A_353] : memref<10240xf32, #tpu.memory_space<vmem>> -> memref<2000xf32, #tpu.memory_space<vmem>>
      tpu.enqueue_dma source(%dma_start3A_354 : memref<2000xf32, #tpu.memory_space<vmem>>) target(%dma_start3A_352 : memref<2000xf32, #tpu.memory_space<hbm>>) target_semaphore(%run_scoped3A_344 : memref<!tpu.dma_semaphore, #tpu.memory_space<semaphore_mem>>)
      %dma_wait3A_355 = arith.constant 0 : i32
      %dma_wait3A_356 = tpu.memref_slice %arg16[%dma_wait3A_355] : memref<10240xf32, #tpu.memory_space<vmem>> -> memref<2000xf32, #tpu.memory_space<vmem>>
      %dma_wait3A_357 = arith.constant 0 : i32
      %dma_wait3A_358 = tpu.memref_slice %arg6[%run_scoped3A_338, %add3A, %dma_wait3A_357] : memref<5x32x2000xf32, #tpu.memory_space<hbm>> -> memref<1x1x2000xf32, #tpu.memory_space<hbm>>
      %dma_wait3A_359 = tpu.memref_squeeze %dma_wait3A_358 : memref<1x1x2000xf32, #tpu.memory_space<hbm>> -> memref<2000xf32, #tpu.memory_space<hbm>>
      %dma_wait3A_360 = arith.constant 0 : i32
      %dma_wait3A_361 = tpu.memref_slice %arg6[%run_scoped3A_338, %add3A, %dma_wait3A_360] : memref<5x32x2000xf32, #tpu.memory_space<hbm>> -> memref<1x1x2000xf32, #tpu.memory_space<hbm>>
      %dma_wait3A_362 = tpu.memref_squeeze %dma_wait3A_361 : memref<1x1x2000xf32, #tpu.memory_space<hbm>> -> memref<2000xf32, #tpu.memory_space<hbm>>
      %dma_wait3A_363 = arith.constant 0 : i32
      %dma_wait3A_364 = tpu.memref_slice %arg16[%dma_wait3A_363] : memref<10240xf32, #tpu.memory_space<vmem>> -> memref<2000xf32, #tpu.memory_space<vmem>>
      tpu.wait_dma2 semaphore(%run_scoped3A_344 : memref<!tpu.dma_semaphore, #tpu.memory_space<semaphore_mem>>) src(%dma_wait3A_364 : memref<2000xf32, #tpu.memory_space<vmem>>) dst(%dma_wait3A_362 : memref<2000xf32, #tpu.memory_space<hbm>>)
      tpu.yield
    }) : () -> ()
    %run_scoped3A_339 = arith.constant 1 : i32
    "tpu.region"() ({
      %run_scoped3A_344 = tpu.sem_alloc : memref<!tpu.dma_semaphore, #tpu.memory_space<semaphore_mem>>
      %dma_start3A_345 = arith.constant 2000 : i32
      %dma_start3A_346 = tpu.memref_slice %arg16[%dma_start3A_345] : memref<10240xf32, #tpu.memory_space<vmem>> -> memref<2000xf32, #tpu.memory_space<vmem>>
      %dma_start3A_347 = arith.constant 0 : i32
      %dma_start3A_348 = tpu.memref_slice %arg6[%run_scoped3A_339, %add3A, %dma_start3A_347] : memref<5x32x2000xf32, #tpu.memory_space<hbm>> -> memref<1x1x2000xf32, #tpu.memory_space<hbm>>
      %dma_start3A_349 = tpu.memref_squeeze %dma_start3A_348 : memref<1x1x2000xf32, #tpu.memory_space<hbm>> -> memref<2000xf32, #tpu.memory_space<hbm>>
      %dma_start3A_350 = arith.constant 0 : i32
      %dma_start3A_351 = tpu.memref_slice %arg6[%run_scoped3A_339, %add3A, %dma_start3A_350] : memref<5x32x2000xf32, #tpu.memory_space<hbm>> -> memref<1x1x2000xf32, #tpu.memory_space<hbm>>
      %dma_start3A_352 = tpu.memref_squeeze %dma_start3A_351 : memref<1x1x2000xf32, #tpu.memory_space<hbm>> -> memref<2000xf32, #tpu.memory_space<hbm>>
      %dma_start3A_353 = arith.constant 2000 : i32
      %dma_start3A_354 = tpu.memref_slice %arg16[%dma_start3A_353] : memref<10240xf32, #tpu.memory_space<vmem>> -> memref<2000xf32, #tpu.memory_space<vmem>>
      tpu.enqueue_dma source(%dma_start3A_354 : memref<2000xf32, #tpu.memory_space<vmem>>) target(%dma_start3A_352 : memref<2000xf32, #tpu.memory_space<hbm>>) target_semaphore(%run_scoped3A_344 : memref<!tpu.dma_semaphore, #tpu.memory_space<semaphore_mem>>)
      %dma_wait3A_355 = arith.constant 2000 : i32
      %dma_wait3A_356 = tpu.memref_slice %arg16[%dma_wait3A_355] : memref<10240xf32, #tpu.memory_space<vmem>> -> memref<2000xf32, #tpu.memory_space<vmem>>
      %dma_wait3A_357 = arith.constant 0 : i32
      %dma_wait3A_358 = tpu.memref_slice %arg6[%run_scoped3A_339, %add3A, %dma_wait3A_357] : memref<5x32x2000xf32, #tpu.memory_space<hbm>> -> memref<1x1x2000xf32, #tpu.memory_space<hbm>>
      %dma_wait3A_359 = tpu.memref_squeeze %dma_wait3A_358 : memref<1x1x2000xf32, #tpu.memory_space<hbm>> -> memref<2000xf32, #tpu.memory_space<hbm>>
      %dma_wait3A_360 = arith.constant 0 : i32
      %dma_wait3A_361 = tpu.memref_slice %arg6[%run_scoped3A_339, %add3A, %dma_wait3A_360] : memref<5x32x2000xf32, #tpu.memory_space<hbm>> -> memref<1x1x2000xf32, #tpu.memory_space<hbm>>
      %dma_wait3A_362 = tpu.memref_squeeze %dma_wait3A_361 : memref<1x1x2000xf32, #tpu.memory_space<hbm>> -> memref<2000xf32, #tpu.memory_space<hbm>>
      %dma_wait3A_363 = arith.constant 2000 : i32
      %dma_wait3A_364 = tpu.memref_slice %arg16[%dma_wait3A_363] : memref<10240xf32, #tpu.memory_space<vmem>> -> memref<2000xf32, #tpu.memory_space<vmem>>
      tpu.wait_dma2 semaphore(%run_scoped3A_344 : memref<!tpu.dma_semaphore, #tpu.memory_space<semaphore_mem>>) src(%dma_wait3A_364 : memref<2000xf32, #tpu.memory_space<vmem>>) dst(%dma_wait3A_362 : memref<2000xf32, #tpu.memory_space<hbm>>)
      tpu.yield
    }) : () -> ()
    %run_scoped3A_340 = arith.constant 2 : i32
    "tpu.region"() ({
      %run_scoped3A_344 = tpu.sem_alloc : memref<!tpu.dma_semaphore, #tpu.memory_space<semaphore_mem>>
      %dma_start3A_345 = arith.constant 4000 : i32
      %dma_start3A_346 = tpu.memref_slice %arg16[%dma_start3A_345] : memref<10240xf32, #tpu.memory_space<vmem>> -> memref<2000xf32, #tpu.memory_space<vmem>>
      %dma_start3A_347 = arith.constant 0 : i32
      %dma_start3A_348 = tpu.memref_slice %arg6[%run_scoped3A_340, %add3A, %dma_start3A_347] : memref<5x32x2000xf32, #tpu.memory_space<hbm>> -> memref<1x1x2000xf32, #tpu.memory_space<hbm>>
      %dma_start3A_349 = tpu.memref_squeeze %dma_start3A_348 : memref<1x1x2000xf32, #tpu.memory_space<hbm>> -> memref<2000xf32, #tpu.memory_space<hbm>>
      %dma_start3A_350 = arith.constant 0 : i32
      %dma_start3A_351 = tpu.memref_slice %arg6[%run_scoped3A_340, %add3A, %dma_start3A_350] : memref<5x32x2000xf32, #tpu.memory_space<hbm>> -> memref<1x1x2000xf32, #tpu.memory_space<hbm>>
      %dma_start3A_352 = tpu.memref_squeeze %dma_start3A_351 : memref<1x1x2000xf32, #tpu.memory_space<hbm>> -> memref<2000xf32, #tpu.memory_space<hbm>>
      %dma_start3A_353 = arith.constant 4000 : i32
      %dma_start3A_354 = tpu.memref_slice %arg16[%dma_start3A_353] : memref<10240xf32, #tpu.memory_space<vmem>> -> memref<2000xf32, #tpu.memory_space<vmem>>
      tpu.enqueue_dma source(%dma_start3A_354 : memref<2000xf32, #tpu.memory_space<vmem>>) target(%dma_start3A_352 : memref<2000xf32, #tpu.memory_space<hbm>>) target_semaphore(%run_scoped3A_344 : memref<!tpu.dma_semaphore, #tpu.memory_space<semaphore_mem>>)
      %dma_wait3A_355 = arith.constant 4000 : i32
      %dma_wait3A_356 = tpu.memref_slice %arg16[%dma_wait3A_355] : memref<10240xf32, #tpu.memory_space<vmem>> -> memref<2000xf32, #tpu.memory_space<vmem>>
      %dma_wait3A_357 = arith.constant 0 : i32
      %dma_wait3A_358 = tpu.memref_slice %arg6[%run_scoped3A_340, %add3A, %dma_wait3A_357] : memref<5x32x2000xf32, #tpu.memory_space<hbm>> -> memref<1x1x2000xf32, #tpu.memory_space<hbm>>
      %dma_wait3A_359 = tpu.memref_squeeze %dma_wait3A_358 : memref<1x1x2000xf32, #tpu.memory_space<hbm>> -> memref<2000xf32, #tpu.memory_space<hbm>>
      %dma_wait3A_360 = arith.constant 0 : i32
      %dma_wait3A_361 = tpu.memref_slice %arg6[%run_scoped3A_340, %add3A, %dma_wait3A_360] : memref<5x32x2000xf32, #tpu.memory_space<hbm>> -> memref<1x1x2000xf32, #tpu.memory_space<hbm>>
      %dma_wait3A_362 = tpu.memref_squeeze %dma_wait3A_361 : memref<1x1x2000xf32, #tpu.memory_space<hbm>> -> memref<2000xf32, #tpu.memory_space<hbm>>
      %dma_wait3A_363 = arith.constant 4000 : i32
      %dma_wait3A_364 = tpu.memref_slice %arg16[%dma_wait3A_363] : memref<10240xf32, #tpu.memory_space<vmem>> -> memref<2000xf32, #tpu.memory_space<vmem>>
      tpu.wait_dma2 semaphore(%run_scoped3A_344 : memref<!tpu.dma_semaphore, #tpu.memory_space<semaphore_mem>>) src(%dma_wait3A_364 : memref<2000xf32, #tpu.memory_space<vmem>>) dst(%dma_wait3A_362 : memref<2000xf32, #tpu.memory_space<hbm>>)
      tpu.yield
    }) : () -> ()
    %run_scoped3A_341 = arith.constant 3 : i32
    "tpu.region"() ({
      %run_scoped3A_344 = tpu.sem_alloc : memref<!tpu.dma_semaphore, #tpu.memory_space<semaphore_mem>>
      %dma_start3A_345 = arith.constant 6000 : i32
      %dma_start3A_346 = tpu.memref_slice %arg16[%dma_start3A_345] : memref<10240xf32, #tpu.memory_space<vmem>> -> memref<2000xf32, #tpu.memory_space<vmem>>
      %dma_start3A_347 = arith.constant 0 : i32
      %dma_start3A_348 = tpu.memref_slice %arg6[%run_scoped3A_341, %add3A, %dma_start3A_347] : memref<5x32x2000xf32, #tpu.memory_space<hbm>> -> memref<1x1x2000xf32, #tpu.memory_space<hbm>>
      %dma_start3A_349 = tpu.memref_squeeze %dma_start3A_348 : memref<1x1x2000xf32, #tpu.memory_space<hbm>> -> memref<2000xf32, #tpu.memory_space<hbm>>
      %dma_start3A_350 = arith.constant 0 : i32
      %dma_start3A_351 = tpu.memref_slice %arg6[%run_scoped3A_341, %add3A, %dma_start3A_350] : memref<5x32x2000xf32, #tpu.memory_space<hbm>> -> memref<1x1x2000xf32, #tpu.memory_space<hbm>>
      %dma_start3A_352 = tpu.memref_squeeze %dma_start3A_351 : memref<1x1x2000xf32, #tpu.memory_space<hbm>> -> memref<2000xf32, #tpu.memory_space<hbm>>
      %dma_start3A_353 = arith.constant 6000 : i32
      %dma_start3A_354 = tpu.memref_slice %arg16[%dma_start3A_353] : memref<10240xf32, #tpu.memory_space<vmem>> -> memref<2000xf32, #tpu.memory_space<vmem>>
      tpu.enqueue_dma source(%dma_start3A_354 : memref<2000xf32, #tpu.memory_space<vmem>>) target(%dma_start3A_352 : memref<2000xf32, #tpu.memory_space<hbm>>) target_semaphore(%run_scoped3A_344 : memref<!tpu.dma_semaphore, #tpu.memory_space<semaphore_mem>>)
      %dma_wait3A_355 = arith.constant 6000 : i32
      %dma_wait3A_356 = tpu.memref_slice %arg16[%dma_wait3A_355] : memref<10240xf32, #tpu.memory_space<vmem>> -> memref<2000xf32, #tpu.memory_space<vmem>>
      %dma_wait3A_357 = arith.constant 0 : i32
      %dma_wait3A_358 = tpu.memref_slice %arg6[%run_scoped3A_341, %add3A, %dma_wait3A_357] : memref<5x32x2000xf32, #tpu.memory_space<hbm>> -> memref<1x1x2000xf32, #tpu.memory_space<hbm>>
      %dma_wait3A_359 = tpu.memref_squeeze %dma_wait3A_358 : memref<1x1x2000xf32, #tpu.memory_space<hbm>> -> memref<2000xf32, #tpu.memory_space<hbm>>
      %dma_wait3A_360 = arith.constant 0 : i32
      %dma_wait3A_361 = tpu.memref_slice %arg6[%run_scoped3A_341, %add3A, %dma_wait3A_360] : memref<5x32x2000xf32, #tpu.memory_space<hbm>> -> memref<1x1x2000xf32, #tpu.memory_space<hbm>>
      %dma_wait3A_362 = tpu.memref_squeeze %dma_wait3A_361 : memref<1x1x2000xf32, #tpu.memory_space<hbm>> -> memref<2000xf32, #tpu.memory_space<hbm>>
      %dma_wait3A_363 = arith.constant 6000 : i32
      %dma_wait3A_364 = tpu.memref_slice %arg16[%dma_wait3A_363] : memref<10240xf32, #tpu.memory_space<vmem>> -> memref<2000xf32, #tpu.memory_space<vmem>>
      tpu.wait_dma2 semaphore(%run_scoped3A_344 : memref<!tpu.dma_semaphore, #tpu.memory_space<semaphore_mem>>) src(%dma_wait3A_364 : memref<2000xf32, #tpu.memory_space<vmem>>) dst(%dma_wait3A_362 : memref<2000xf32, #tpu.memory_space<hbm>>)
      tpu.yield
    }) : () -> ()
    %run_scoped3A_342 = arith.constant 4 : i32
    "tpu.region"() ({
      %run_scoped3A_344 = tpu.sem_alloc : memref<!tpu.dma_semaphore, #tpu.memory_space<semaphore_mem>>
      %dma_start3A_345 = arith.constant 8000 : i32
      %dma_start3A_346 = tpu.memref_slice %arg16[%dma_start3A_345] : memref<10240xf32, #tpu.memory_space<vmem>> -> memref<2000xf32, #tpu.memory_space<vmem>>
      %dma_start3A_347 = arith.constant 0 : i32
      %dma_start3A_348 = tpu.memref_slice %arg6[%run_scoped3A_342, %add3A, %dma_start3A_347] : memref<5x32x2000xf32, #tpu.memory_space<hbm>> -> memref<1x1x2000xf32, #tpu.memory_space<hbm>>
      %dma_start3A_349 = tpu.memref_squeeze %dma_start3A_348 : memref<1x1x2000xf32, #tpu.memory_space<hbm>> -> memref<2000xf32, #tpu.memory_space<hbm>>
      %dma_start3A_350 = arith.constant 0 : i32
      %dma_start3A_351 = tpu.memref_slice %arg6[%run_scoped3A_342, %add3A, %dma_start3A_350] : memref<5x32x2000xf32, #tpu.memory_space<hbm>> -> memref<1x1x2000xf32, #tpu.memory_space<hbm>>
      %dma_start3A_352 = tpu.memref_squeeze %dma_start3A_351 : memref<1x1x2000xf32, #tpu.memory_space<hbm>> -> memref<2000xf32, #tpu.memory_space<hbm>>
      %dma_start3A_353 = arith.constant 8000 : i32
      %dma_start3A_354 = tpu.memref_slice %arg16[%dma_start3A_353] : memref<10240xf32, #tpu.memory_space<vmem>> -> memref<2000xf32, #tpu.memory_space<vmem>>
      tpu.enqueue_dma source(%dma_start3A_354 : memref<2000xf32, #tpu.memory_space<vmem>>) target(%dma_start3A_352 : memref<2000xf32, #tpu.memory_space<hbm>>) target_semaphore(%run_scoped3A_344 : memref<!tpu.dma_semaphore, #tpu.memory_space<semaphore_mem>>)
      %dma_wait3A_355 = arith.constant 8000 : i32
      %dma_wait3A_356 = tpu.memref_slice %arg16[%dma_wait3A_355] : memref<10240xf32, #tpu.memory_space<vmem>> -> memref<2000xf32, #tpu.memory_space<vmem>>
      %dma_wait3A_357 = arith.constant 0 : i32
      %dma_wait3A_358 = tpu.memref_slice %arg6[%run_scoped3A_342, %add3A, %dma_wait3A_357] : memref<5x32x2000xf32, #tpu.memory_space<hbm>> -> memref<1x1x2000xf32, #tpu.memory_space<hbm>>
      %dma_wait3A_359 = tpu.memref_squeeze %dma_wait3A_358 : memref<1x1x2000xf32, #tpu.memory_space<hbm>> -> memref<2000xf32, #tpu.memory_space<hbm>>
      %dma_wait3A_360 = arith.constant 0 : i32
      %dma_wait3A_361 = tpu.memref_slice %arg6[%run_scoped3A_342, %add3A, %dma_wait3A_360] : memref<5x32x2000xf32, #tpu.memory_space<hbm>> -> memref<1x1x2000xf32, #tpu.memory_space<hbm>>
      %dma_wait3A_362 = tpu.memref_squeeze %dma_wait3A_361 : memref<1x1x2000xf32, #tpu.memory_space<hbm>> -> memref<2000xf32, #tpu.memory_space<hbm>>
      %dma_wait3A_363 = arith.constant 8000 : i32
      %dma_wait3A_364 = tpu.memref_slice %arg16[%dma_wait3A_363] : memref<10240xf32, #tpu.memory_space<vmem>> -> memref<2000xf32, #tpu.memory_space<vmem>>
      tpu.wait_dma2 semaphore(%run_scoped3A_344 : memref<!tpu.dma_semaphore, #tpu.memory_space<semaphore_mem>>) src(%dma_wait3A_364 : memref<2000xf32, #tpu.memory_space<vmem>>) dst(%dma_wait3A_362 : memref<2000xf32, #tpu.memory_space<hbm>>)
      tpu.yield
    }) : () -> ()
    %barrier3A_343 = arith.constant 0 : index
    tpu.barrier barrier_id(%barrier3A_343)
    "tpu.region"() ({
      %run_scoped3A_344 = tpu.sem_alloc : memref<!tpu.dma_semaphore, #tpu.memory_space<semaphore_mem>>
      %dma_start3A_345 = arith.constant 0 : i32
      %dma_start3A_346 = tpu.memref_slice %arg5[%arg0, %mul3A_2, %dma_start3A_345] : memref<2x10240x128xbf16, #tpu.memory_space<hbm>> -> memref<1x640x128xbf16, #tpu.memory_space<hbm>>
      %dma_start3A_347 = tpu.memref_squeeze %dma_start3A_346 : memref<1x640x128xbf16, #tpu.memory_space<hbm>> -> memref<640x128xbf16, #tpu.memory_space<hbm>>
      %dma_start3A_348 = arith.constant 0 : i32
      %dma_start3A_349 = tpu.memref_slice %arg17[%mul3A_2, %dma_start3A_348] : memref<10240x128xbf16, #tpu.memory_space<vmem_shared>> -> memref<640x128xbf16, #tpu.memory_space<vmem_shared>>
      tpu.enqueue_dma source(%dma_start3A_349 : memref<640x128xbf16, #tpu.memory_space<vmem_shared>>) target(%dma_start3A_347 : memref<640x128xbf16, #tpu.memory_space<hbm>>) target_semaphore(%run_scoped3A_344 : memref<!tpu.dma_semaphore, #tpu.memory_space<semaphore_mem>>)
      %dma_wait3A_350 = arith.constant 0 : i32
      %dma_wait3A_351 = tpu.memref_slice %arg5[%arg0, %mul3A_2, %dma_wait3A_350] : memref<2x10240x128xbf16, #tpu.memory_space<hbm>> -> memref<1x640x128xbf16, #tpu.memory_space<hbm>>
      %dma_wait3A_352 = tpu.memref_squeeze %dma_wait3A_351 : memref<1x640x128xbf16, #tpu.memory_space<hbm>> -> memref<640x128xbf16, #tpu.memory_space<hbm>>
      %dma_wait3A_353 = arith.constant 0 : i32
      %dma_wait3A_354 = tpu.memref_slice %arg17[%mul3A_2, %dma_wait3A_353] : memref<10240x128xbf16, #tpu.memory_space<vmem_shared>> -> memref<640x128xbf16, #tpu.memory_space<vmem_shared>>
      tpu.wait_dma2 semaphore(%run_scoped3A_344 : memref<!tpu.dma_semaphore, #tpu.memory_space<semaphore_mem>>) src(%dma_wait3A_354 : memref<640x128xbf16, #tpu.memory_space<vmem_shared>>) dst(%dma_wait3A_352 : memref<640x128xbf16, #tpu.memory_space<hbm>>)
      tpu.yield
    }) : () -> ()
    return
  }
}

module attributes {stable_mosaic.version = 14 : i64} {
  func.func @body(%arg0: i32, %arg1: memref<2000x128xf32, #tpu.memory_space<vmem>>, %arg2: memref<2x2000x128xbf16, #tpu.memory_space<vmem>>, %arg3: memref<1x32x2000xf32, #tpu.memory_space<vmem>>, %arg4: memref<2000x1xf32, #tpu.memory_space<vmem>>, %arg5: memref<128x128xf32, #tpu.memory_space<vmem>>, %arg6: memref<128x128xf32, #tpu.memory_space<vmem>>, %arg7: memref<128x1xf32, #tpu.memory_space<vmem>>, %arg8: memref<1x128xf32, #tpu.memory_space<vmem>>, %arg9: memref<1x2xf32, #tpu.memory_space<vmem>>, %arg10: memref<2000x1xf32, #tpu.memory_space<vmem>>) attributes {dimension_semantics = [#tpu.dimension_semantics<arbitrary>], iteration_bounds = array<i64: 5>, scalar_prefetch = 0 : i64, scratch_operands = 0 : i64, tpu.core_type = #tpu.core_type<tc>, window_params = [{transform_indices = @transform_0, window_bounds = array<i64: 2000, 128>}, {transform_indices = @transform_1, window_bounds = array<i64: 2, 2000, 128>}, {transform_indices = @transform_2, window_bounds = array<i64: 1, 32, 2000>}, {transform_indices = @transform_3, window_bounds = array<i64: 2000, 1>}, {pipeline_mode = #tpu.pipeline_mode<synchronous>, transform_indices = @transform_4, window_bounds = array<i64: 128, 128>}, {pipeline_mode = #tpu.pipeline_mode<synchronous>, transform_indices = @transform_5, window_bounds = array<i64: 128, 128>}, {pipeline_mode = #tpu.pipeline_mode<synchronous>, transform_indices = @transform_6, window_bounds = array<i64: 128, 1>}, {pipeline_mode = #tpu.pipeline_mode<synchronous>, transform_indices = @transform_7, window_bounds = array<i64: 1, 128>}, {pipeline_mode = #tpu.pipeline_mode<synchronous>, transform_indices = @transform_8, window_bounds = array<i64: 1, 2>}, {transform_indices = @transform_9, window_bounds = array<i64: 2000, 1>}]} {
    %get3A = arith.constant 0 : index
    %get3A_0 = arith.constant 0 : index
    %get3A_1 = vector.load %arg1[%get3A, %get3A_0] : memref<2000x128xf32, #tpu.memory_space<vmem>>, vector<2000x128xf32>
    %get3A_2 = arith.constant 0 : index
    %get3A_3 = arith.constant 0 : index
    %get3A_4 = arith.constant 0 : index
    %get3A_5 = vector.load %arg2[%get3A_2, %get3A_3, %get3A_4] : memref<2x2000x128xbf16, #tpu.memory_space<vmem>>, vector<1x2000x128xbf16>
    %get3A_6 = vector.shape_cast %get3A_5 : vector<1x2000x128xbf16> to vector<2000x128xbf16>
    %convert_element_type3A = arith.extf %get3A_6 : vector<2000x128xbf16> to vector<2000x128xf32>
    %get3A_7 = arith.constant 1 : index
    %get3A_8 = arith.constant 0 : index
    %get3A_9 = arith.constant 0 : index
    %get3A_10 = vector.load %arg2[%get3A_7, %get3A_8, %get3A_9] : memref<2x2000x128xbf16, #tpu.memory_space<vmem>>, vector<1x2000x128xbf16>
    %get3A_11 = vector.shape_cast %get3A_10 : vector<1x2000x128xbf16> to vector<2000x128xbf16>
    %convert_element_type3A_12 = arith.extf %get3A_11 : vector<2000x128xbf16> to vector<2000x128xf32>
    %add3A = arith.addf %convert_element_type3A, %convert_element_type3A_12 : vector<2000x128xf32>
    %get3A_13 = arith.constant 0 : index
    %get3A_14 = arith.constant 0 : index
    %get3A_15 = arith.constant 0 : index
    %get3A_16 = vector.load %arg3[%get3A_13, %get3A_14, %get3A_15] : memref<1x32x2000xf32, #tpu.memory_space<vmem>>, vector<1x32x2000xf32>
    %get3A_17 = vector.shape_cast %get3A_16 : vector<1x32x2000xf32> to vector<32x2000xf32>
    %reduce_sum3A = arith.constant dense<0.000000e+00> : vector<2000xf32>
    %reduce_sum3A_18 = vector.multi_reduction <add>, %get3A_17, %reduce_sum3A [0] : vector<32x2000xf32> to vector<2000xf32>
    %reshape3A = vector.shape_cast %reduce_sum3A_18 : vector<2000xf32> to vector<2000x1xf32>
    %max3A = arith.constant 1.000000e+00 : f32
    %max3A_19 = vector.broadcast %max3A : f32 to vector<2000x1xf32>
    %max3A_20 = arith.maximumf %reshape3A, %max3A_19 : vector<2000x1xf32>
    %div3A = vector.broadcast %max3A_20 : vector<2000x1xf32> to vector<2000x128xf32>
    %div3A_21 = arith.divf %add3A, %div3A : vector<2000x128xf32>
    %get3A_22 = arith.constant 0 : index
    %get3A_23 = arith.constant 0 : index
    %get3A_24 = vector.load %arg5[%get3A_22, %get3A_23] : memref<128x128xf32, #tpu.memory_space<vmem>>, vector<128x128xf32>
    %dot_general3A = arith.constant dense<0.000000e+00> : vector<2000x128xf32>
    %dot_general3A_25 = tpu.matmul %div3A_21, %get3A_24, %dot_general3A {dimension_numbers = #tpu.dot_dimension_numbers<[1], [1], [0], [0], [0, 0, 1, 0], [], []>, transpose_lhs_hint = false} : vector<2000x128xf32>, vector<128x128xf32>, vector<2000x128xf32> -> vector<2000x128xf32>
    %get3A_26 = arith.constant 0 : index
    %get3A_27 = arith.constant 0 : index
    %get3A_28 = vector.load %arg8[%get3A_26, %get3A_27] : memref<1x128xf32, #tpu.memory_space<vmem>>, vector<1x128xf32>
    %add3A_29 = vector.broadcast %get3A_28 : vector<1x128xf32> to vector<2000x128xf32>
    %add3A_30 = arith.addf %dot_general3A_25, %add3A_29 : vector<2000x128xf32>
    %get3A_31 = arith.constant 0 : index
    %get3A_32 = arith.constant 0 : index
    %get3A_33 = vector.load %arg6[%get3A_31, %get3A_32] : memref<128x128xf32, #tpu.memory_space<vmem>>, vector<128x128xf32>
    %dot_general3A_34 = arith.constant dense<0.000000e+00> : vector<2000x128xf32>
    %dot_general3A_35 = tpu.matmul %get3A_1, %get3A_33, %dot_general3A_34 {dimension_numbers = #tpu.dot_dimension_numbers<[1], [1], [0], [0], [0, 0, 1, 0], [], []>, transpose_lhs_hint = false} : vector<2000x128xf32>, vector<128x128xf32>, vector<2000x128xf32> -> vector<2000x128xf32>
    %add3A_36 = arith.addf %add3A_30, %dot_general3A_35 : vector<2000x128xf32>
    %max3A_37 = arith.constant 0.000000e+00 : f32
    %max3A_38 = vector.broadcast %max3A_37 : f32 to vector<2000x128xf32>
    %max3A_39 = arith.maximumf %add3A_36, %max3A_38 : vector<2000x128xf32>
    %add3A_40 = arith.addf %max3A_39, %get3A_1 : vector<2000x128xf32>
    %get3A_41 = arith.constant 0 : index
    %get3A_42 = arith.constant 0 : index
    %get3A_43 = vector.load %arg7[%get3A_41, %get3A_42] : memref<128x1xf32, #tpu.memory_space<vmem>>, vector<128x1xf32>
    %dot_general3A_44 = arith.constant dense<0.000000e+00> : vector<2000x1xf32>
    %dot_general3A_45 = tpu.matmul %add3A_40, %get3A_43, %dot_general3A_44 {dimension_numbers = #tpu.dot_dimension_numbers<[1], [0], [0], [1], [0, 0, 1, 1], [], []>, transpose_lhs_hint = false} : vector<2000x128xf32>, vector<128x1xf32>, vector<2000x1xf32> -> vector<2000x1xf32>
    %get3A_46 = arith.constant 0 : index
    %get3A_47 = arith.constant 0 : index
    %get3A_48 = vector.load %arg9[%get3A_46, %get3A_47] : memref<1x2xf32, #tpu.memory_space<vmem>>, vector<1x1xf32>
    %get3A_49 = vector.extract %get3A_48[0, 0] : f32 from vector<1x1xf32>
    %get3A_50 = arith.constant 0 : index
    %get3A_51 = arith.constant 1 : index
    %get3A_52 = vector.load %arg9[%get3A_50, %get3A_51] : memref<1x2xf32, #tpu.memory_space<vmem>>, vector<1x1xf32>
    %get3A_53 = vector.extract %get3A_52[0, 0] : f32 from vector<1x1xf32>
    %neg3A = arith.constant 0.000000e+00 : f32
    %neg3A_54 = arith.subf %neg3A, %get3A_53 : f32
    %exp3A = math.exp %neg3A_54 : f32
    %add3A_55 = arith.constant 1.000000e+00 : f32
    %add3A_56 = arith.addf %add3A_55, %exp3A : f32
    %div3A_57 = arith.constant 1.000000e+00 : f32
    %div3A_58 = arith.divf %div3A_57, %add3A_56 : f32
    %get3A_59 = arith.constant 0 : index
    %get3A_60 = arith.constant 0 : index
    %get3A_61 = vector.load %arg4[%get3A_59, %get3A_60] : memref<2000x1xf32, #tpu.memory_space<vmem>>, vector<2000x1xf32>
    %mul3A = vector.broadcast %div3A_58 : f32 to vector<2000x1xf32>
    %mul3A_62 = arith.mulf %mul3A, %get3A_61 : vector<2000x1xf32>
    %sub3A = arith.constant 1.000000e+00 : f32
    %sub3A_63 = arith.subf %sub3A, %div3A_58 : f32
    %add3A_64 = vector.broadcast %get3A_49 : f32 to vector<2000x1xf32>
    %add3A_65 = arith.addf %dot_general3A_45, %add3A_64 : vector<2000x1xf32>
    %mul3A_66 = vector.broadcast %sub3A_63 : f32 to vector<2000x1xf32>
    %mul3A_67 = arith.mulf %mul3A_66, %add3A_65 : vector<2000x1xf32>
    %add3A_68 = arith.addf %mul3A_62, %mul3A_67 : vector<2000x1xf32>
    %swap3A = arith.constant 0 : index
    %swap3A_69 = arith.constant 0 : index
    %swap3A_70 = vector.load %arg10[%swap3A, %swap3A_69] : memref<2000x1xf32, #tpu.memory_space<vmem>>, vector<2000x1xf32>
    tpu.vector_store %arg10[%swap3A, %swap3A_69], %add3A_68 {strides = array<i32>} : memref<2000x1xf32, #tpu.memory_space<vmem>>, vector<2000x1xf32>,
    return
  }
  func.func @transform_0(%arg0: i32) -> (i32, i32) {
    %c0_i32 = arith.constant 0 : i32
    %c0_i32_0 = arith.constant 0 : i32
    return %arg0, %c0_i32 : i32, i32
  }
  func.func @transform_1(%arg0: i32) -> (i32, i32, i32) {
    %c0_i32 = arith.constant 0 : i32
    %c0_i32_0 = arith.constant 0 : i32
    %c0_i32_1 = arith.constant 0 : i32
    return %c0_i32, %arg0, %c0_i32_0 : i32, i32, i32
  }
  func.func @transform_2(%arg0: i32) -> (i32, i32, i32) {
    %c0_i32 = arith.constant 0 : i32
    %c0_i32_0 = arith.constant 0 : i32
    %c0_i32_1 = arith.constant 0 : i32
    return %arg0, %c0_i32, %c0_i32_0 : i32, i32, i32
  }
  func.func @transform_3(%arg0: i32) -> (i32, i32) {
    %c0_i32 = arith.constant 0 : i32
    %c0_i32_0 = arith.constant 0 : i32
    return %arg0, %c0_i32 : i32, i32
  }
  func.func @transform_4(%arg0: i32) -> (i32, i32) {
    %c0_i32 = arith.constant 0 : i32
    %c0_i32_0 = arith.constant 0 : i32
    %c0_i32_1 = arith.constant 0 : i32
    return %c0_i32, %c0_i32_0 : i32, i32
  }
  func.func @transform_5(%arg0: i32) -> (i32, i32) {
    %c0_i32 = arith.constant 0 : i32
    %c0_i32_0 = arith.constant 0 : i32
    %c0_i32_1 = arith.constant 0 : i32
    return %c0_i32, %c0_i32_0 : i32, i32
  }
  func.func @transform_6(%arg0: i32) -> (i32, i32) {
    %c0_i32 = arith.constant 0 : i32
    %c0_i32_0 = arith.constant 0 : i32
    %c0_i32_1 = arith.constant 0 : i32
    return %c0_i32, %c0_i32_0 : i32, i32
  }
  func.func @transform_7(%arg0: i32) -> (i32, i32) {
    %c0_i32 = arith.constant 0 : i32
    %c0_i32_0 = arith.constant 0 : i32
    %c0_i32_1 = arith.constant 0 : i32
    return %c0_i32, %c0_i32_0 : i32, i32
  }
  func.func @transform_8(%arg0: i32) -> (i32, i32) {
    %c0_i32 = arith.constant 0 : i32
    %c0_i32_0 = arith.constant 0 : i32
    %c0_i32_1 = arith.constant 0 : i32
    return %c0_i32, %c0_i32_0 : i32, i32
  }
  func.func @transform_9(%arg0: i32) -> (i32, i32) {
    %c0_i32 = arith.constant 0 : i32
    %c0_i32_0 = arith.constant 0 : i32
    return %arg0, %c0_i32 : i32, i32
  }
}

</mosaic_0001>

<sc_bundles>
// kernel: kernel.4.cloned.1.call-start
scs
__scs_entry_jumppad:
0x0: {  	(pc) =	sbr.rel $0x88, $3  }
0x1: {  	(tag) =	ssettag $0x0;
	lr =	simm.s32 $0x1  }
0x2: {  	[smem:$0x3F98] =	sst lr;
	_ =	strace $0xD0000000  }
0x3: {  	_ = 	snop  }
0x4: {  	_ = 	snop  }
0x5: {  	_ = 	snop  }
0x6: {  	_ = 	snop  }
0x7: {  	_ = 	snop  }
__scs_overlays_trampoline_lowered:
0x8: {  	[smem:$0x3FA7] =	sst s0  }
0x9: {  	[smem:$0x3FA8] =	sst s1  }
0xa: {  	[smem:$0x3FA9] =	sst s2  }
0xb: {  	[smem:$0x3FAA] =	sst s3  }
0xc: {  	[smem:$0x3FAB] =	sst s4  }
0xd: {  	[smem:$0x3FAC] =	sst s5  }
0xe: {  	[smem:$0x3FAD] =	sst s6  }
0xf: {  	[smem:$0x3FAE] =	sst s7  }
0x10: {  	[smem:$0x3FAF] =	sst s8  }
0x11: {  	[smem:$0x3FB0] =	sst s9;
	s0 =	simm.s32 @!p0 $0x0  }
0x12: {  	s1 =	sld [smem:$0x3F96];
	s0 =	simm.s32 @p0 $0x1  }
0x13: {  	[smem:$0x3FB1] =	sst s0;
	s0 =	simm.s32 @!p1 $0x0  }
0x14: {  	s2 =	sld [smem:$0x3F95];
	s0 =	simm.s32 @p1 $0x1  }
0x15: {  	[smem:$0x3FB2] =	sst s0;
	s0 =	simm.s32 @!p2 $0x0  }
0x16: {  	s3 =	sld [smem:$0x3FDB];
	s0 =	simm.s32 @p2 $0x1  }
0x17: {  	s4 =	simm.s32 $0x1BF5;
	[smem:$0x3FB4] =	sst s0  }
0x18: {  	s0 =	sld [smem:$0x3F97];
	_ =	swait.ge [sflag:s4], $0x0  }
0x19: {  	s7 =	sld [smem:$0x3F98]  }
0x1a: {  	s8 =	sadd.s32 $0xFFFFE003, lr  }
0x1b: {  	s9 =	sadd.s32 $0xFFFFFEF7, lr;
	s5 =	simm.s32 $0xFFFFFFFF;
	p2 =	slt.u32 s8, $0xFFFFF086  }
0x1c: {  	p1 =	slt.u32 s9, $0xF7A;
	s5 =	simm.s32 @!p2 $0x0  }
0x1d: {  	s5 =	simm.s32 @p1 $0x1;
	p0 =	seq.s32 s7, s2  }
0x1e: {  	s7 =	smul.u32 @!p0 $0xF7A, s2;
	p2 =	seq.s32 @!p0 s5, $0x0  }
0x1f: {  	s9 =	smul.u32 $0xF7A, s1;
	s8 =	simm.s32 @!p0 $0x1BF5;
	p2 =	por !p2, p0  }
0x20: {  	[sflag:s8] =	ssyncset.s32 @!p0 $0xFFFFF086;
	s6 =	sadd.s32 @!p0 s3, s7;
	s7 =	simm.s32 @!p0 $0x108  }
0x21: {  	s3 =	sadd.s32 s3, s9;
	s6 =	sadd.s32 @!p0 $0x88, s6;
	s7 =	simm.s32 @p2 $0x1082  }
0x22: {  	[simem:s7], [sflag:s8] =	dma.local @!p0 [hbm:s6], $0xF7A  }
0x23: {  	s9 =	sor.u32 $0xD0000000, s2;
	s6 =	simm.s32 $0x108;
	_ =	swait.ge @!p0 [sflag:s8], $0x0  }
0x24: {  	s3 =	sadd.s32 $0x88, s3;
	s6 =	simm.s32 @!p1 $0x1082;
	[sflag:s4] =	ssyncset.s32 $0xFFFFF086  }
0x25: {  	[simem:s6], [sflag:s4] =	dma.local [hbm:s3], $0xF7A  }
0x26: {  	[smem:$0x3F98] =	sst s1;
	(tag) =	ssettag s2;
	_ =	strace s9  }
0x27: {  	s1 =	sld [smem:$0x3FA8]  }
0x28: {  	s2 =	sld [smem:$0x3FA9]  }
0x29: {  	s4 =	sld [smem:$0x3FAB]  }
0x2a: {  	p0 =	seq.s32 s5, $0x0;
	s5 =	sld [smem:$0x3FAC]  }
0x2b: {  	s6 =	sld [smem:$0x3FAD]  }
0x2c: {  	s7 =	sld [smem:$0x3FAE]  }
0x2d: {  	s3 =	simm.s32 $0x108;
	s8 =	sld [smem:$0x3FAF]  }
0x2e: {  	s3 =	simm.s32 @!p0 $0x1082;
	s9 =	sld [smem:$0x3FB0]  }
0x2f: {  	lr =	sadd.s32 s0, s3;
	s0 =	sld [smem:$0x3FA7]  }
0x30: {  	s3 =	sld [smem:$0x3FAA]  }
0x31: {  	[smem:$0x3FB3] =	sst s10  }
0x32: {  	s10 =	sld [smem:$0x3FB1];
	_ =	sdelay $0x3  }
0x33: {  	p0 =	seq.s32 s10, $0x1;
	s10 =	sld [smem:$0x3FB3];
	_ =	sdelay $0x3  }
0x34: {  	[smem:$0x3FB3] =	sst s10  }
0x35: {  	s10 =	sld [smem:$0x3FB2];
	_ =	sdelay $0x3  }
0x36: {  	p1 =	seq.s32 s10, $0x1;
	s10 =	sld [smem:$0x3FB3];
	_ =	sdelay $0x3  }
0x37: {  	[smem:$0x3FB3] =	sst s10  }
0x38: {  	s10 =	sld [smem:$0x3FB4]  }
0x39: {  	_ = 	snop;
	(pc) =	sbr.ind lr, $3  }
0x3a: {  	_ = 	snop  }
0x3b: {  	_ = 	snop  }
0x3c: {  	p2 =	seq.s32 s10, $0x1;
	s10 =	sld [smem:$0x3FB3]  }
0x3d: {  	_ =	shalt  }
0x3e: {  	_ =	shalt  }
0x3f: {  	_ =	shalt  }
0x40: {  	_ =	shalt  }
0x41: {  	_ =	shalt  }
0x42: {  	_ =	shalt  }
0x43: {  	_ =	shalt  }
0x44: {  	_ =	shalt  }
0x45: {  	_ =	shalt  }
0x46: {  	_ =	shalt  }
0x47: {  	_ =	shalt  }
0x48: {  	_ =	shalt  }
0x49: {  	_ =	shalt  }
0x4a: {  	_ =	shalt  }
0x4b: {  	_ =	shalt  }
0x4c: {  	_ =	shalt  }
0x4d: {  	_ =	shalt  }
0x4e: {  	_ =	shalt  }
0x4f: {  	_ =	shalt  }
0x50: {  	_ =	shalt  }
0x51: {  	_ =	shalt  }
0x52: {  	_ =	shalt  }
0x53: {  	_ =	shalt  }
0x54: {  	_ =	shalt  }
0x55: {  	_ =	shalt  }
0x56: {  	_ =	shalt  }
0x57: {  	_ =	shalt  }
0x58: {  	_ =	shalt  }
0x59: {  	_ =	shalt  }
0x5a: {  	_ =	shalt  }
0x5b: {  	_ =	shalt  }
0x5c: {  	_ =	shalt  }
0x5d: {  	_ =	shalt  }
0x5e: {  	_ =	shalt  }
0x5f: {  	_ =	shalt  }
0x60: {  	_ =	shalt  }
0x61: {  	_ =	shalt  }
0x62: {  	_ =	shalt  }
0x63: {  	_ =	shalt  }
0x64: {  	_ =	shalt  }
0x65: {  	_ =	shalt  }
0x66: {  	_ =	shalt  }
0x67: {  	_ =	shalt  }
0x68: {  	_ =	shalt  }
0x69: {  	_ =	shalt  }
0x6a: {  	_ =	shalt  }
0x6b: {  	_ =	shalt  }
0x6c: {  	_ =	shalt  }
0x6d: {  	_ =	shalt  }
0x6e: {  	_ =	shalt  }
0x6f: {  	_ =	shalt  }
0x70: {  	_ =	shalt  }
0x71: {  	_ =	shalt  }
0x72: {  	_ =	shalt  }
0x73: {  	_ =	shalt  }
0x74: {  	_ =	shalt  }
0x75: {  	_ =	shalt  }
0x76: {  	_ =	shalt  }
0x77: {  	_ =	shalt  }
0x78: {  	_ =	shalt  }
0x79: {  	_ =	shalt  }
0x7a: {  	_ =	shalt  }
0x7b: {  	_ =	shalt  }
0x7c: {  	_ =	shalt  }
0x7d: {  	_ =	shalt  }
0x7e: {  	_ =	shalt  }
0x7f: {  	_ =	shalt  }
0x80: {  	_ =	shalt  }
0x81: {  	_ =	shalt  }
0x82: {  	_ =	shalt  }
0x83: {  	_ =	shalt  }
0x84: {  	_ =	shalt  }
0x85: {  	_ =	shalt  }
0x86: {  	_ =	shalt  }
0x87: {  	_ =	shalt  }
.Lfunc_end0:
.L_simem_size_0:
called_computation_lowered:
.L_overlay_start_0:
0x88: {  	s2 =	sld [smem:$0x3FD9]  }
0x89: {  	s3 =	sld [smem:$0x3FFE];
	_ =	sdelay $0x1  }
0x8a: {  	s1 =	srdreg.scid  }
0x8b: {  	s0 =	sand.u32 $0x1, s1  }
0x8c: {  	s16 =	sshll.u32 s0, $0xA;
	s2 =	sadd.s32 s3, s2  }
0x8d: {  	s2 =	sadd.s32 s2, s16  }
0x8e: {  	[smem:$0x3FBF] =	sst s2  }
0x8f: {  	_ = 	snop  }
0x90: {  	(tm) =	ssettm $0x1  }
0x91: {  	s17 =	sld [smem:$0x3FFB];
	_ =	sdelay $0x3  }
0x92: {  	_ =	strace s17  }
0x93: {  	s2 =	sld [smem:$0x3FFC];
	_ =	sdelay $0x3  }
0x94: {  	_ =	strace s2  }
0x95: {  	s2 =	sld [smem:$0x3FFD];
	_ =	sdelay $0x3  }
0x96: {  	_ =	strace s2  }
0x97: {  	_ =	strace $0x8FFFFFFF  }
0x98: {  	s18 =	sld [smem:$0x3FDB];
	_ =	sdelay $0x1  }
0x99: {  	s19 =	simm.s32 $_scs_section_size  }
0x9a: {  	s4 =	simm.s32 $_size__tile_overlayer_lowered;
	s5 =	simm.s32 $_tile_overlayer_lowered  }
0x9b: {  	s22 =	simm.s32 $0x1BFF;
	s21 =	sshll.u32 s5, $0x1;
	s2 =	sadd.s32 s19, s18  }
0x9c: {  	s6 =	simm.s32 $0x0;
	s20 =	sshll.u32 s4, $0x1;
	s4 =	sadd.s32 s21, s2  }
0x9d: {  	[timem:s6], [sflag:s22] =	dma.local [hbm:s4], s20  }
0x9e: {  	_ =	swait.ge [sflag:s22], s20  }
0x9f: {  	s3 =	ssub.s32 $0x0, s20;
	[sflag:s22] =	ssyncset.done $0x0  }
0xa0: {  	[sflag:s22] =	ssyncadd.s32 s3;
	_ =	sdelay $0x1  }
0xa1: {  	s23 =	simm.s32 $0x1B8B  }
0xa2: {  	_ =	swait.ge [sflag:s23], $0x1  }
0xa3: {  	[sflag:s23] =	ssyncset.done $0x0  }
0xa4: {  	s25 =	simm.s32 $0x1B8E;
	s24 =	sld [smem:$0x3FFE];
	[sflag:s23] =	ssyncadd.s32 $0xFFFFFFFF  }
0xa5: {  	s26 =	simm.s32 $execute0_lowered;
	[smem:$0x3FD2] =	sst s25  }
0xa6: {  	s4 =	sshll.u32 s26, $0x1;
	_ =	strace $0x80000046;
	[dreg:$0x1] =	wrdreg $0xFFFFFFFF  }
0xa7: {  	s28 =	simm.s32 $_size_execute0_lowered;
	s2 =	sadd.s32 s2, s4;
	[dreg:$0x0] =	wrdreg $0x0  }
0xa8: {  	s4 =	sshll.u32 s28, $0x1;
	[dreg:$0x2] =	wrdreg s2  }
0xa9: {  	[dreg:$0x3] =	wrdreg s4  }
0xaa: {  	[dreg:$0x4] =	wrdreg $0xC0  }
0xab: {  	_ =	task [dreg:s6], $0x5FFFF  }
0xac: {  	[dreg:$0x1] =	wrdreg $0xFFFFFFFF  }
0xad: {  	[dreg:$0x0] =	wrdreg $0x60  }
0xae: {  	[dreg:$0x2] =	wrdreg s24  }
0xaf: {  	[dreg:$0x3] =	wrdreg $0x157000  }
0xb0: {  	[dreg:$0x4] =	wrdreg $0x9  }
0xb1: {  	_ =	task.clear_ibuf [dreg:s6], $0x5FFFF;
	_ =	strace $0x90000046  }
0xb2: {  	s29 =	simm.s32 $0x9;
	_ =	strace $0x80000048  }
0xb3: {  	_ =	swait.ge [sflag:s29], $0x1  }
0xb4: {  	[sflag:s29] =	ssyncadd.s32 $0xFFFFFFFF  }
0xb5: {  	_ =	strace $0x90000048  }
0xb6: {  	_ =	sfence  }
0xb7: {  	s30 =	sld [smem:$0x0];
	_ =	sdelay $0x2  }
0xb8: {  	s31 =	sshll.u32 s1, $0xD;
	s1 =	sshrl.u32 s1, $0x2  }
0xb9: {  	s3 =	sand.u32 $0x4000, s31;
	s1 =	sadd.s32 s1, s30  }
0xba: {  	s0 =	sor.u32 s3, s0;
	s1 =	sshll.u32 s1, $0x11  }
0xbb: {  	s0 =	sor.u32 s1, s0  }
0xbc: {  	s0 =	sadd.s32 $0x8F2B, s0  }
0xbd: {  	[sflag:s0] =	ssyncadd.remote.s32 $0x1  }
0xbe: {  	_ =	sfence.sel $0xFFFF  }
0xbf: {  	[dreg:$0x0] =	wrdreg $0xFFFFFFFF;
	(pc) =	sbr.abs _section_cstart, $3  }
0xc0: {  	[dreg:$0x1] =	wrdreg $0xFFFFFFFF  }
0xc1: {  	_ =	task.clear_ibuf [dreg:s6], $0x2FFFF;
	_ =	strace $0x9FFFFFFF  }
0xc2: {  	(tm) =	ssettm $0x7FFFFFFF  }
0xc3: {  	_ =	shalt  }
tec
execute0_lowered:
.L_overlay_start_1:
0x0: {  	(tag) =	ssettag $0x1  }
0x1: {  	s0 =	srdreg.scid;
	s1 =	rddreg [dreg:$0x0]  }
0x2: {  	s10 =	stileid.u32;
	s2 =	rddreg [dreg:$0x1]  }
0x3: {  	s29 =	simm.s32 $0xAF00;
	s31 =	simm.s32 $0xCF00;
	s28 =	simm.s32 $0x2  }
0x4: {  	s30 =	simm.s32 $0x3;
	s0 =	sand.u32 $0x1, s0;
	s7 =	smul.u32 $0x14000, s10  }
0x5: {  	s3 =	sshll.u32 s0, $0x4;
	s17 =	smul.u32 $0x140000, s0;
	s0 =	ssub.s32 $0x2, s0  }
0x6: {  	s5 =	sor.u32 s10, s3;
	s3 =	simm.s32 $0x0;
	s10 =	smul.u32 $0x28000, s10  }
0x7: {  	s18 =	sshrl.u32 s0, $0x1;
	s21 =	sshrl.u32 s7, $0x1;
	s4 =	smul.u32 $0x4F, s5  }
0x8: {  	[smem:$0x7FF] =	sst s3;
	s6 =	smul.u32 $0x4E, s5;
	p0 =	sgt.u32 s5, $0x1B  }
0x9: {  	s8 =	sadd.s32 s7, s17;
	s9 =	smul.u32 $0x7D0, s5;
	s0 =	ssub.s32 s0, s18  }
0xa: {  	s7 =	sadd.s32 s21, s2;
	s21 =	simm.s32 $0x10F00;
	_ =	strace $0x80000047  }
0xb: {  	s8 =	sshrl.u32 s8, $0x4;
	s20 =	sshrl.u32 s10, $0x2;
	s4 =	sadd.s32 $0x1FFFFE4, s4  }
0xc: {  	s18 =	smax.u32 s0, $0x1;
	s0 =	simm.s32 $0x1;
	s6 =	smov.u32 @p0 s4  }
0xd: {  	s9 =	sshrl.u32 s9, $0x3;
	s8 =	sadd.s32 s8, s1;
	s6 =	sshll.u32 s6, $0x4  }
0xe: {  	s4 =	sadd.s32 $0x14400, s1;
	s17 =	sadd.s32 $0x27E00, s8;
	s6 =	sand.u32 $0x1FFFFFF0, s6  }
0xf: {  	p0 =	slt.u32 s5, $0x1C;
	s5 =	simm.s32 $0x5;
	s6 =	sadd.s32 s6, s1  }
0x10: {  	s8 =	simm.s32 $0x0;
	s1 =	sadd.s32 s9, s1;
	s19 =	sadd.s32 $0xA600, s6  }
0x11: {  	s9 =	sadd.s32 s20, s2;
	s6 =	sadd.s32 $0x800, s6;
	[dreg:$0x3] =	wrdreg s19  }
0x12: {  	s20 =	simm.s32 $0xEF00;
	s22 =	sadd.s32 $0x2000, s9;
	[dreg:$0x4] =	wrdreg s6  }
0x13: {  	s23 =	sadd.s32 $0x4000, s9;
	s24 =	sadd.s32 $0x6000, s9;
	[dreg:$0x5] =	wrdreg s22  }
0x14: {  	s25 =	sadd.s32 $0x8000, s9;
	s26 =	sadd.s32 $0x4FE00, s1;
	[dreg:$0x6] =	wrdreg s23  }
0x15: {  	s13 =	sadd.s32 $0x51D40, s1;
	s14 =	sadd.s32 $0x53C80, s1;
	[dreg:$0x7] =	wrdreg s24  }
0x16: {  	s15 =	sadd.s32 $0x55BC0, s1;
	s16 =	sadd.s32 $0x57B00, s1;
	[dreg:$0x8] =	wrdreg s25  }
0x17: {  	s1 =	simm.s32 $0x4;
	[dreg:$0x9] =	wrdreg s26;
	s19 =	simm.s32 $0x7  }
0x18: {  	s22 =	simm.s32 $0x80;
	s23 =	simm.s32 $0x4F00;
	s24 =	simm.s32 $0x6F00  }
0x19: {  	v0 =	vimm.bf16 $0.0e+00;
	v1 =	vimm.f32 $0.0e+00;
	v2 =	vimm.f32 $1.000000000e+00;
	s26 =	simm.s32 $0x8F00;
	s25 =	simm.s32 $0x12F00;
	s6 =	simm.s32 $0x6  }
.LBB2_1:
0x1a: {  	s9 =	rddreg [dreg:$0x3]  }
0x1b: {  	[tilespmem:s3], [sflag:$0x7] =	stream.linear.gather [hbm4b:s9+s3], $0x2780, $0x38;
	[tilespmem:$0x1F700] =	vst v63  }
0x1c: {  	_ =	swait.ge [sflag:s19], $0x2780  }
0x1d: {  	[sflag:s19] =	ssyncset.done $0x0  }
0x1e: {  	s10 =	simm.s32 $0x2780;
	s12 =	rddreg [dreg:$0x4];
	[sflag:s19] =	ssyncadd.s32 $0xFFFFD880  }
0x1f: {  	[tilespmem:s10], [sflag:$0x7] =	stream.linear.gather [hbm4b:s12+s3], $0x2780, $0x38;
	[tilespmem:$0x1F700] =	vst v63  }
0x20: {  	_ =	swait.ge [sflag:s19], $0x2780  }
0x21: {  	[sflag:s19] =	ssyncset.done $0x0  }
0x22: {  	s9 =	simm.s32 $0x0;
	s10 =	simm.s32 $0x0;
	[sflag:s19] =	ssyncadd.s32 $0xFFFFD880  }
.LBB2_2:
0x23: {  	p1 =	sne.s32 s10, $0x7FC0  }
.Ltmp0:
0x24: {  	_ = 	snop;
	(pc) =	sbr.rel @p1 .LBB2_2-.Ltmp0, $4  }
0x25: {  	s11 =	sand.u32 $0x60, s9;
	s12 =	sand.u32 $0x7F00, s10  }
0x26: {  	s12 =	sshrl.u32 s12, $0x2;
	s11 =	sshrl.u32 s11, $0x1  }
0x27: {  	s11 =	sor.u32 s11, s12  }
0x28: {  	s9 =	sadd.s32 $0x20, s9;
	s10 =	sadd.s32 $0x40, s10;
	[tilespmem:s11+$0x10F00] =	vst v0  }
0x29: {  	s9 =	simm.s32 $0x40;
	s10 =	simm.s32 $0x0  }
.LBB2_4:
0x2a: {  	p1 =	sne.s32 s9, $0x9FC0;
	[tilespmem:s10+$0x12F00] =	vst v1;
	s10 =	smov.u32 s9;
	s9 =	sadd.s32 $0x40, s9  }
.Ltmp1:
0x2b: {  	(pc) =	sbr.rel @p1 .LBB2_4-.Ltmp1, $2  }
0x2c: {  	_ =	sdelay $0x2  }
0x2d: {  	s10 =	sshra.s32 s10, $0x2  }
0x2e: {  	[tilespmem:s10+$0x12F00] =	vst v1  }
0x2f: {  	[spmem:s7] =	stream.linear.scatter [tilespmem:s21], [sflag:$0x7], $0x2000, $0x38;
	[tilespmem:$0x1F700] =	vst v63  }
0x30: {  	_ =	swait.ge [sflag:s19], $0x2000  }
0x31: {  	[sflag:s19] =	ssyncset.done $0x0  }
0x32: {  	s9 =	rddreg [dreg:$0x5];
	[sflag:s19] =	ssyncadd.s32 $0xFFFFE000  }
0x33: {  	[spmem:s9] =	stream.linear.scatter [tilespmem:s21], [sflag:$0x7], $0x2000, $0x38;
	[tilespmem:$0x1F700] =	vst v63  }
0x34: {  	_ =	swait.ge [sflag:s19], $0x2000  }
0x35: {  	[sflag:s19] =	ssyncset.done $0x0  }
0x36: {  	s11 =	rddreg [dreg:$0x6];
	[sflag:s19] =	ssyncadd.s32 $0xFFFFE000  }
0x37: {  	[spmem:s11] =	stream.linear.scatter [tilespmem:s21], [sflag:$0x7], $0x2000, $0x38;
	[tilespmem:$0x1F700] =	vst v63  }
0x38: {  	_ =	swait.ge [sflag:s19], $0x2000  }
0x39: {  	[sflag:s19] =	ssyncset.done $0x0  }
0x3a: {  	s12 =	rddreg [dreg:$0x7];
	[sflag:s19] =	ssyncadd.s32 $0xFFFFE000  }
0x3b: {  	[spmem:s12] =	stream.linear.scatter [tilespmem:s21], [sflag:$0x7], $0x2000, $0x38;
	[tilespmem:$0x1F700] =	vst v63  }
0x3c: {  	_ =	swait.ge [sflag:s19], $0x2000  }
0x3d: {  	[sflag:s19] =	ssyncset.done $0x0  }
0x3e: {  	s10 =	rddreg [dreg:$0x8];
	[sflag:s19] =	ssyncadd.s32 $0xFFFFE000  }
0x3f: {  	[spmem:s10] =	stream.linear.scatter [tilespmem:s21], [sflag:$0x7], $0x2000, $0x38;
	[tilespmem:$0x1F700] =	vst v63  }
0x40: {  	_ =	swait.ge [sflag:s19], $0x2000  }
0x41: {  	[sflag:s19] =	ssyncset.done $0x0  }
0x42: {  	[sflag:s19] =	ssyncadd.s32 $0xFFFFE000  }
0x43: {  	s9 =	simm.s32 $0x0;
	[bflag:$0x0] =	sbarrier.arrive $0xFFFF  }
0x44: {  	[tilespmem:s23], [sflag:$0x1] =	stream.indirect.gather [hbm4b:s4+s22], $0x40, s9, s22, $0xb8;
	[tilespmem:$0x1F700] =	vst v63  }
0x45: {  	_ = 	snop  }
0x46: {  	[tilespmem:s24], [sflag:$0x2] =	stream.indirect.gather [hbm4b:s4+s22], $0x40, s22, s22, $0xb8;
	[tilespmem:$0x1F700] =	vst v63  }
0x47: {  	s11 =	simm.s32 $0x100  }
0x48: {  	[tilespmem:s26], [sflag:$0x3] =	stream.indirect.gather [hbm4b:s4+s22], $0x40, s11, s22, $0xb8;
	[tilespmem:$0x1F700] =	vst v63  }
0x49: {  	s12 =	simm.s32 $0x180  }
0x4a: {  	[tilespmem:s29], [sflag:$0x4] =	stream.indirect.gather [hbm4b:s4+s22], $0x40, s12, s22, $0xb8;
	[tilespmem:$0x1F700] =	vst v63  }
0x4b: {  	s11 =	simm.s32 $0x200  }
0x4c: {  	[tilespmem:s31], [sflag:$0x5] =	stream.indirect.gather [hbm4b:s4+s22], $0x40, s11, s22, $0xb8;
	[tilespmem:$0x1F700] =	vst v63  }
0x4d: {  	s12 =	simm.s32 $0x280  }
0x4e: {  	[tilespmem:s20], [sflag:$0x6] =	stream.indirect.gather [hbm4b:s4+s22], $0x40, s12, s22, $0xb8;
	[tilespmem:$0x1F700] =	vst v63  }
.LBB2_6:
0x4f: {  	s10 =	sshra.s32 s9, $0x2  }
0x50: {  	v3 =	vld [tilespmem:s10+$0x2780];
	_ =	sdelay $0x7  }
0x51: {  	[tilespmem:v3+s25+$0x0] =	vst.idx.add.f32.msk $0xffff, v2  }
0x52: {  	v3 =	vld [tilespmem:s10+$0x2790];
	_ =	sdelay $0x7  }
0x53: {  	[tilespmem:v3+s25+$0x0] =	vst.idx.add.f32.msk $0xffff, v2  }
0x54: {  	v3 =	vld [tilespmem:s10+$0x27A0];
	_ =	sdelay $0x7  }
0x55: {  	[tilespmem:v3+s25+$0x0] =	vst.idx.add.f32.msk $0xffff, v2  }
0x56: {  	v3 =	vld [tilespmem:s10+$0x27B0];
	_ =	sdelay $0x7  }
0x57: {  	[tilespmem:v3+s25+$0x0] =	vst.idx.add.f32.msk $0xffff, v2  }
0x58: {  	v3 =	vld [tilespmem:s10+$0x27C0];
	_ =	sdelay $0x7  }
0x59: {  	[tilespmem:v3+s25+$0x0] =	vst.idx.add.f32.msk $0xffff, v2  }
0x5a: {  	v3 =	vld [tilespmem:s10+$0x27D0];
	_ =	sdelay $0x7  }
0x5b: {  	[tilespmem:v3+s25+$0x0] =	vst.idx.add.f32.msk $0xffff, v2  }
0x5c: {  	v3 =	vld [tilespmem:s10+$0x27E0];
	_ =	sdelay $0x7  }
0x5d: {  	[tilespmem:v3+s25+$0x0] =	vst.idx.add.f32.msk $0xffff, v2  }
0x5e: {  	v3 =	vld [tilespmem:s10+$0x27F0];
	_ =	sdelay $0x7  }
0x5f: {  	[tilespmem:v3+s25+$0x0] =	vst.idx.add.f32.msk $0xffff, v2  }
0x60: {  	_ =	swait.ge [sflag:s0], $0x2000  }
0x61: {  	[sflag:s0] =	ssyncset.done $0x0  }
0x62: {  	s11 =	sadd.s32 $0x2780, s10;
	[sflag:s0] =	ssyncadd.s32 $0xFFFFE000  }
0x63: {  	[spmem:s2] =	stream.indirect.scatter.add.bf16 [tilespmem:s23], [sflag:$0x7], $0x40, s11, s22, $0xb8;
	[tilespmem:$0x1F700] =	vst v63  }
0x64: {  	_ =	swait.ge [sflag:s19], $0x2000  }
0x65: {  	[sflag:s19] =	ssyncset.done $0x0  }
0x66: {  	s12 =	sadd.s32 $0x300, s10;
	[sflag:s19] =	ssyncadd.s32 $0xFFFFE000  }
0x67: {  	[tilespmem:s23], [sflag:$0x1] =	stream.indirect.gather [hbm4b:s4+s22], $0x40, s12, s22, $0xb8;
	[tilespmem:$0x1F700] =	vst v63  }
0x68: {  	v3 =	vld [tilespmem:s10+$0x2800];
	_ =	sdelay $0x7  }
0x69: {  	[tilespmem:v3+s25+$0x0] =	vst.idx.add.f32.msk $0xffff, v2  }
0x6a: {  	v3 =	vld [tilespmem:s10+$0x2810];
	_ =	sdelay $0x7  }
0x6b: {  	[tilespmem:v3+s25+$0x0] =	vst.idx.add.f32.msk $0xffff, v2  }
0x6c: {  	v3 =	vld [tilespmem:s10+$0x2820];
	_ =	sdelay $0x7  }
0x6d: {  	[tilespmem:v3+s25+$0x0] =	vst.idx.add.f32.msk $0xffff, v2  }
0x6e: {  	v3 =	vld [tilespmem:s10+$0x2830];
	_ =	sdelay $0x7  }
0x6f: {  	[tilespmem:v3+s25+$0x0] =	vst.idx.add.f32.msk $0xffff, v2  }
0x70: {  	v3 =	vld [tilespmem:s10+$0x2840];
	_ =	sdelay $0x7  }
0x71: {  	[tilespmem:v3+s25+$0x0] =	vst.idx.add.f32.msk $0xffff, v2  }
0x72: {  	v3 =	vld [tilespmem:s10+$0x2850];
	_ =	sdelay $0x7  }
0x73: {  	[tilespmem:v3+s25+$0x0] =	vst.idx.add.f32.msk $0xffff, v2  }
0x74: {  	v3 =	vld [tilespmem:s10+$0x2860];
	_ =	sdelay $0x7  }
0x75: {  	[tilespmem:v3+s25+$0x0] =	vst.idx.add.f32.msk $0xffff, v2  }
0x76: {  	v3 =	vld [tilespmem:s10+$0x2870];
	_ =	sdelay $0x7  }
0x77: {  	[tilespmem:v3+s25+$0x0] =	vst.idx.add.f32.msk $0xffff, v2  }
0x78: {  	_ =	swait.ge [sflag:s28], $0x2000  }
0x79: {  	[sflag:s28] =	ssyncset.done $0x0  }
0x7a: {  	s12 =	sadd.s32 $0x2800, s10;
	[sflag:s28] =	ssyncadd.s32 $0xFFFFE000  }
0x7b: {  	[spmem:s2] =	stream.indirect.scatter.add.bf16 [tilespmem:s24], [sflag:$0x7], $0x40, s12, s22, $0xb8;
	[tilespmem:$0x1F700] =	vst v63  }
0x7c: {  	_ =	swait.ge [sflag:s19], $0x2000  }
0x7d: {  	[sflag:s19] =	ssyncset.done $0x0  }
0x7e: {  	s12 =	sadd.s32 $0x380, s10;
	[sflag:s19] =	ssyncadd.s32 $0xFFFFE000  }
0x7f: {  	[tilespmem:s24], [sflag:$0x2] =	stream.indirect.gather [hbm4b:s4+s22], $0x40, s12, s22, $0xb8;
	[tilespmem:$0x1F700] =	vst v63  }
0x80: {  	v3 =	vld [tilespmem:s10+$0x2880];
	_ =	sdelay $0x7  }
0x81: {  	[tilespmem:v3+s25+$0x0] =	vst.idx.add.f32.msk $0xffff, v2  }
0x82: {  	v3 =	vld [tilespmem:s10+$0x2890];
	_ =	sdelay $0x7  }
0x83: {  	[tilespmem:v3+s25+$0x0] =	vst.idx.add.f32.msk $0xffff, v2  }
0x84: {  	v3 =	vld [tilespmem:s10+$0x28A0];
	_ =	sdelay $0x7  }
0x85: {  	[tilespmem:v3+s25+$0x0] =	vst.idx.add.f32.msk $0xffff, v2  }
0x86: {  	v3 =	vld [tilespmem:s10+$0x28B0];
	_ =	sdelay $0x7  }
0x87: {  	[tilespmem:v3+s25+$0x0] =	vst.idx.add.f32.msk $0xffff, v2  }
0x88: {  	v3 =	vld [tilespmem:s10+$0x28C0];
	_ =	sdelay $0x7  }
0x89: {  	[tilespmem:v3+s25+$0x0] =	vst.idx.add.f32.msk $0xffff, v2  }
0x8a: {  	v3 =	vld [tilespmem:s10+$0x28D0];
	_ =	sdelay $0x7  }
0x8b: {  	[tilespmem:v3+s25+$0x0] =	vst.idx.add.f32.msk $0xffff, v2  }
0x8c: {  	v3 =	vld [tilespmem:s10+$0x28E0];
	_ =	sdelay $0x7  }
0x8d: {  	[tilespmem:v3+s25+$0x0] =	vst.idx.add.f32.msk $0xffff, v2  }
0x8e: {  	v3 =	vld [tilespmem:s10+$0x28F0];
	_ =	sdelay $0x7  }
0x8f: {  	[tilespmem:v3+s25+$0x0] =	vst.idx.add.f32.msk $0xffff, v2  }
0x90: {  	_ =	swait.ge [sflag:s30], $0x2000  }
0x91: {  	[sflag:s30] =	ssyncset.done $0x0  }
0x92: {  	s12 =	sadd.s32 $0x2880, s10;
	[sflag:s30] =	ssyncadd.s32 $0xFFFFE000  }
0x93: {  	[spmem:s2] =	stream.indirect.scatter.add.bf16 [tilespmem:s26], [sflag:$0x7], $0x40, s12, s22, $0xb8;
	[tilespmem:$0x1F700] =	vst v63  }
0x94: {  	_ =	swait.ge [sflag:s19], $0x2000  }
0x95: {  	[sflag:s19] =	ssyncset.done $0x0  }
0x96: {  	s12 =	sadd.s32 $0x400, s10;
	[sflag:s19] =	ssyncadd.s32 $0xFFFFE000  }
0x97: {  	[tilespmem:s26], [sflag:$0x3] =	stream.indirect.gather [hbm4b:s4+s22], $0x40, s12, s22, $0xb8;
	[tilespmem:$0x1F700] =	vst v63  }
0x98: {  	v3 =	vld [tilespmem:s10+$0x2900];
	_ =	sdelay $0x7  }
0x99: {  	[tilespmem:v3+s25+$0x0] =	vst.idx.add.f32.msk $0xffff, v2  }
0x9a: {  	v3 =	vld [tilespmem:s10+$0x2910];
	_ =	sdelay $0x7  }
0x9b: {  	[tilespmem:v3+s25+$0x0] =	vst.idx.add.f32.msk $0xffff, v2  }
0x9c: {  	v3 =	vld [tilespmem:s10+$0x2920];
	_ =	sdelay $0x7  }
0x9d: {  	[tilespmem:v3+s25+$0x0] =	vst.idx.add.f32.msk $0xffff, v2  }
0x9e: {  	v3 =	vld [tilespmem:s10+$0x2930];
	_ =	sdelay $0x7  }
0x9f: {  	[tilespmem:v3+s25+$0x0] =	vst.idx.add.f32.msk $0xffff, v2  }
0xa0: {  	v3 =	vld [tilespmem:s10+$0x2940];
	_ =	sdelay $0x7  }
0xa1: {  	[tilespmem:v3+s25+$0x0] =	vst.idx.add.f32.msk $0xffff, v2  }
0xa2: {  	v3 =	vld [tilespmem:s10+$0x2950];
	_ =	sdelay $0x7  }
0xa3: {  	[tilespmem:v3+s25+$0x0] =	vst.idx.add.f32.msk $0xffff, v2  }
0xa4: {  	v3 =	vld [tilespmem:s10+$0x2960];
	_ =	sdelay $0x7  }
0xa5: {  	[tilespmem:v3+s25+$0x0] =	vst.idx.add.f32.msk $0xffff, v2  }
0xa6: {  	v3 =	vld [tilespmem:s10+$0x2970];
	_ =	sdelay $0x7  }
0xa7: {  	[tilespmem:v3+s25+$0x0] =	vst.idx.add.f32.msk $0xffff, v2  }
0xa8: {  	_ =	swait.ge [sflag:s1], $0x2000  }
0xa9: {  	[sflag:s1] =	ssyncset.done $0x0  }
0xaa: {  	s12 =	sadd.s32 $0x2900, s10;
	[sflag:s1] =	ssyncadd.s32 $0xFFFFE000  }
0xab: {  	[spmem:s2] =	stream.indirect.scatter.add.bf16 [tilespmem:s29], [sflag:$0x7], $0x40, s12, s22, $0xb8;
	[tilespmem:$0x1F700] =	vst v63  }
0xac: {  	_ =	swait.ge [sflag:s19], $0x2000  }
0xad: {  	[sflag:s19] =	ssyncset.done $0x0  }
0xae: {  	s12 =	sadd.s32 $0x480, s10;
	[sflag:s19] =	ssyncadd.s32 $0xFFFFE000  }
0xaf: {  	[tilespmem:s29], [sflag:$0x4] =	stream.indirect.gather [hbm4b:s4+s22], $0x40, s12, s22, $0xb8;
	[tilespmem:$0x1F700] =	vst v63  }
0xb0: {  	v3 =	vld [tilespmem:s10+$0x2980];
	_ =	sdelay $0x7  }
0xb1: {  	[tilespmem:v3+s25+$0x0] =	vst.idx.add.f32.msk $0xffff, v2  }
0xb2: {  	v3 =	vld [tilespmem:s10+$0x2990];
	_ =	sdelay $0x7  }
0xb3: {  	[tilespmem:v3+s25+$0x0] =	vst.idx.add.f32.msk $0xffff, v2  }
0xb4: {  	v3 =	vld [tilespmem:s10+$0x29A0];
	_ =	sdelay $0x7  }
0xb5: {  	[tilespmem:v3+s25+$0x0] =	vst.idx.add.f32.msk $0xffff, v2  }
0xb6: {  	v3 =	vld [tilespmem:s10+$0x29B0];
	_ =	sdelay $0x7  }
0xb7: {  	[tilespmem:v3+s25+$0x0] =	vst.idx.add.f32.msk $0xffff, v2  }
0xb8: {  	v3 =	vld [tilespmem:s10+$0x29C0];
	_ =	sdelay $0x7  }
0xb9: {  	[tilespmem:v3+s25+$0x0] =	vst.idx.add.f32.msk $0xffff, v2  }
0xba: {  	v3 =	vld [tilespmem:s10+$0x29D0];
	_ =	sdelay $0x7  }
0xbb: {  	[tilespmem:v3+s25+$0x0] =	vst.idx.add.f32.msk $0xffff, v2  }
0xbc: {  	v3 =	vld [tilespmem:s10+$0x29E0];
	_ =	sdelay $0x7  }
0xbd: {  	[tilespmem:v3+s25+$0x0] =	vst.idx.add.f32.msk $0xffff, v2  }
0xbe: {  	v3 =	vld [tilespmem:s10+$0x29F0];
	_ =	sdelay $0x7  }
0xbf: {  	[tilespmem:v3+s25+$0x0] =	vst.idx.add.f32.msk $0xffff, v2  }
0xc0: {  	_ =	swait.ge [sflag:s5], $0x2000  }
0xc1: {  	[sflag:s5] =	ssyncset.done $0x0  }
0xc2: {  	s12 =	sadd.s32 $0x2980, s10;
	[sflag:s5] =	ssyncadd.s32 $0xFFFFE000  }
0xc3: {  	[spmem:s2] =	stream.indirect.scatter.add.bf16 [tilespmem:s31], [sflag:$0x7], $0x40, s12, s22, $0xb8;
	[tilespmem:$0x1F700] =	vst v63  }
0xc4: {  	_ =	swait.ge [sflag:s19], $0x2000  }
0xc5: {  	[sflag:s19] =	ssyncset.done $0x0  }
0xc6: {  	s12 =	sadd.s32 $0x500, s10;
	[sflag:s19] =	ssyncadd.s32 $0xFFFFE000  }
0xc7: {  	[tilespmem:s31], [sflag:$0x5] =	stream.indirect.gather [hbm4b:s4+s22], $0x40, s12, s22, $0xb8;
	[tilespmem:$0x1F700] =	vst v63  }
0xc8: {  	v3 =	vld [tilespmem:s10+$0x2A00];
	_ =	sdelay $0x7  }
0xc9: {  	[tilespmem:v3+s25+$0x0] =	vst.idx.add.f32.msk $0xffff, v2  }
0xca: {  	v3 =	vld [tilespmem:s10+$0x2A10];
	_ =	sdelay $0x7  }
0xcb: {  	[tilespmem:v3+s25+$0x0] =	vst.idx.add.f32.msk $0xffff, v2  }
0xcc: {  	v3 =	vld [tilespmem:s10+$0x2A20];
	_ =	sdelay $0x7  }
0xcd: {  	[tilespmem:v3+s25+$0x0] =	vst.idx.add.f32.msk $0xffff, v2  }
0xce: {  	v3 =	vld [tilespmem:s10+$0x2A30];
	_ =	sdelay $0x7  }
0xcf: {  	[tilespmem:v3+s25+$0x0] =	vst.idx.add.f32.msk $0xffff, v2  }
0xd0: {  	v3 =	vld [tilespmem:s10+$0x2A40];
	_ =	sdelay $0x7  }
0xd1: {  	[tilespmem:v3+s25+$0x0] =	vst.idx.add.f32.msk $0xffff, v2  }
0xd2: {  	v3 =	vld [tilespmem:s10+$0x2A50];
	_ =	sdelay $0x7  }
0xd3: {  	[tilespmem:v3+s25+$0x0] =	vst.idx.add.f32.msk $0xffff, v2  }
0xd4: {  	v3 =	vld [tilespmem:s10+$0x2A60];
	_ =	sdelay $0x7  }
0xd5: {  	[tilespmem:v3+s25+$0x0] =	vst.idx.add.f32.msk $0xffff, v2  }
0xd6: {  	v3 =	vld [tilespmem:s10+$0x2A70];
	_ =	sdelay $0x7  }
0xd7: {  	[tilespmem:v3+s25+$0x0] =	vst.idx.add.f32.msk $0xffff, v2  }
0xd8: {  	_ =	swait.ge [sflag:s6], $0x2000  }
0xd9: {  	[sflag:s6] =	ssyncset.done $0x0  }
0xda: {  	p1 =	sne.s32 s9, $0x8400;
	s12 =	sadd.s32 $0x2A00, s10;
	[sflag:s6] =	ssyncadd.s32 $0xFFFFE000  }
0xdb: {  	[spmem:s2] =	stream.indirect.scatter.add.bf16 [tilespmem:s20], [sflag:$0x7], $0x40, s12, s22, $0xb8;
	[tilespmem:$0x1F700] =	vst v63  }
.Ltmp2:
0xdc: {  	_ = 	snop;
	(pc) =	sbr.rel @p1 .LBB2_6-.Ltmp2, $4  }
0xdd: {  	_ =	swait.ge [sflag:s19], $0x2000  }
0xde: {  	[sflag:s19] =	ssyncset.done $0x0  }
0xdf: {  	s9 =	sadd.s32 $0xC00, s9;
	s10 =	sadd.s32 $0x580, s10;
	[sflag:s19] =	ssyncadd.s32 $0xFFFFE000  }
0xe0: {  	[tilespmem:s20], [sflag:$0x6] =	stream.indirect.gather [hbm4b:s4+s22], $0x40, s10, s22, $0xb8;
	[tilespmem:$0x1F700] =	vst v63  }
0xe1: {  	v3 =	vld [tilespmem:$0x4B80];
	_ =	sdelay $0x7  }
0xe2: {  	[tilespmem:v3+s25+$0x0] =	vst.idx.add.f32.msk $0xffff, v2  }
0xe3: {  	v3 =	vld [tilespmem:$0x4B90];
	_ =	sdelay $0x7  }
0xe4: {  	[tilespmem:v3+s25+$0x0] =	vst.idx.add.f32.msk $0xffff, v2  }
0xe5: {  	v3 =	vld [tilespmem:$0x4BA0];
	_ =	sdelay $0x7  }
0xe6: {  	[tilespmem:v3+s25+$0x0] =	vst.idx.add.f32.msk $0xffff, v2  }
0xe7: {  	v3 =	vld [tilespmem:$0x4BB0];
	_ =	sdelay $0x7  }
0xe8: {  	[tilespmem:v3+s25+$0x0] =	vst.idx.add.f32.msk $0xffff, v2  }
0xe9: {  	v3 =	vld [tilespmem:$0x4BC0];
	_ =	sdelay $0x7  }
0xea: {  	[tilespmem:v3+s25+$0x0] =	vst.idx.add.f32.msk $0xffff, v2  }
0xeb: {  	v3 =	vld [tilespmem:$0x4BD0];
	_ =	sdelay $0x7  }
0xec: {  	[tilespmem:v3+s25+$0x0] =	vst.idx.add.f32.msk $0xffff, v2  }
0xed: {  	v3 =	vld [tilespmem:$0x4BE0];
	_ =	sdelay $0x7  }
0xee: {  	[tilespmem:v3+s25+$0x0] =	vst.idx.add.f32.msk $0xffff, v2  }
0xef: {  	v3 =	vld [tilespmem:$0x4BF0];
	_ =	sdelay $0x7  }
0xf0: {  	[tilespmem:v3+s25+$0x0] =	vst.idx.add.f32.msk $0xffff, v2  }
0xf1: {  	_ =	swait.ge [sflag:s0], $0x2000  }
0xf2: {  	[sflag:s0] =	ssyncset.done $0x0  }
0xf3: {  	s9 =	simm.s32 $0x4B80;
	[sflag:s0] =	ssyncadd.s32 $0xFFFFE000  }
0xf4: {  	[spmem:s2] =	stream.indirect.scatter.add.bf16 [tilespmem:s23], [sflag:$0x7], $0x40, s9, s22, $0xb8;
	[tilespmem:$0x1F700] =	vst v63  }
0xf5: {  	_ =	swait.ge [sflag:s19], $0x2000  }
0xf6: {  	[sflag:s19] =	ssyncset.done $0x0  }
0xf7: {  	[sflag:s19] =	ssyncadd.s32 $0xFFFFE000  }
0xf8: {  	v3 =	vld [tilespmem:$0x4C00];
	_ =	sdelay $0x7  }
0xf9: {  	[tilespmem:v3+s25+$0x0] =	vst.idx.add.f32.msk $0xffff, v2  }
0xfa: {  	v3 =	vld [tilespmem:$0x4C10];
	_ =	sdelay $0x7  }
0xfb: {  	[tilespmem:v3+s25+$0x0] =	vst.idx.add.f32.msk $0xffff, v2  }
0xfc: {  	v3 =	vld [tilespmem:$0x4C20];
	_ =	sdelay $0x7  }
0xfd: {  	[tilespmem:v3+s25+$0x0] =	vst.idx.add.f32.msk $0xffff, v2  }
0xfe: {  	v3 =	vld [tilespmem:$0x4C30];
	_ =	sdelay $0x7  }
0xff: {  	[tilespmem:v3+s25+$0x0] =	vst.idx.add.f32.msk $0xffff, v2  }
0x100: {  	v3 =	vld [tilespmem:$0x4C40];
	_ =	sdelay $0x7  }
0x101: {  	[tilespmem:v3+s25+$0x0] =	vst.idx.add.f32.msk $0xffff, v2  }
0x102: {  	v3 =	vld [tilespmem:$0x4C50];
	_ =	sdelay $0x7  }
0x103: {  	[tilespmem:v3+s25+$0x0] =	vst.idx.add.f32.msk $0xffff, v2  }
0x104: {  	v3 =	vld [tilespmem:$0x4C60];
	_ =	sdelay $0x7  }
0x105: {  	[tilespmem:v3+s25+$0x0] =	vst.idx.add.f32.msk $0xffff, v2  }
0x106: {  	v3 =	vld [tilespmem:$0x4C70];
	_ =	sdelay $0x7  }
0x107: {  	[tilespmem:v3+s25+$0x0] =	vst.idx.add.f32.msk $0xffff, v2  }
0x108: {  	_ =	swait.ge [sflag:s28], $0x2000  }
0x109: {  	[sflag:s28] =	ssyncset.done $0x0  }
0x10a: {  	s10 =	simm.s32 $0x4C00;
	[sflag:s28] =	ssyncadd.s32 $0xFFFFE000  }
0x10b: {  	[spmem:s2] =	stream.indirect.scatter.add.bf16 [tilespmem:s24], [sflag:$0x7], $0x40, s10, s22, $0xb8;
	[tilespmem:$0x1F700] =	vst v63  }
0x10c: {  	_ =	swait.ge [sflag:s19], $0x2000  }
0x10d: {  	[sflag:s19] =	ssyncset.done $0x0  }
0x10e: {  	[sflag:s19] =	ssyncadd.s32 $0xFFFFE000  }
0x10f: {  	v3 =	vld [tilespmem:$0x4C80];
	_ =	sdelay $0x7  }
0x110: {  	[tilespmem:v3+s25+$0x0] =	vst.idx.add.f32.msk $0xffff, v2  }
0x111: {  	v3 =	vld [tilespmem:$0x4C90];
	_ =	sdelay $0x7  }
0x112: {  	[tilespmem:v3+s25+$0x0] =	vst.idx.add.f32.msk $0xffff, v2  }
0x113: {  	v3 =	vld [tilespmem:$0x4CA0];
	_ =	sdelay $0x7  }
0x114: {  	[tilespmem:v3+s25+$0x0] =	vst.idx.add.f32.msk $0xffff, v2  }
0x115: {  	v3 =	vld [tilespmem:$0x4CB0];
	_ =	sdelay $0x7  }
0x116: {  	[tilespmem:v3+s25+$0x0] =	vst.idx.add.f32.msk $0xffff, v2  }
0x117: {  	v3 =	vld [tilespmem:$0x4CC0];
	_ =	sdelay $0x7  }
0x118: {  	[tilespmem:v3+s25+$0x0] =	vst.idx.add.f32.msk $0xffff, v2  }
0x119: {  	v3 =	vld [tilespmem:$0x4CD0];
	_ =	sdelay $0x7  }
0x11a: {  	[tilespmem:v3+s25+$0x0] =	vst.idx.add.f32.msk $0xffff, v2  }
0x11b: {  	v3 =	vld [tilespmem:$0x4CE0];
	_ =	sdelay $0x7  }
0x11c: {  	[tilespmem:v3+s25+$0x0] =	vst.idx.add.f32.msk $0xffff, v2  }
0x11d: {  	v3 =	vld [tilespmem:$0x4CF0];
	_ =	sdelay $0x7  }
0x11e: {  	[tilespmem:v3+s25+$0x0] =	vst.idx.add.f32.msk $0xffff, v2  }
0x11f: {  	_ =	swait.ge [sflag:s30], $0x2000  }
0x120: {  	[sflag:s30] =	ssyncset.done $0x0  }
0x121: {  	s11 =	simm.s32 $0x4C80;
	[sflag:s30] =	ssyncadd.s32 $0xFFFFE000  }
0x122: {  	[spmem:s2] =	stream.indirect.scatter.add.bf16 [tilespmem:s26], [sflag:$0x7], $0x40, s11, s22, $0xb8;
	[tilespmem:$0x1F700] =	vst v63  }
0x123: {  	_ =	swait.ge [sflag:s19], $0x2000  }
0x124: {  	[sflag:s19] =	ssyncset.done $0x0  }
0x125: {  	[sflag:s19] =	ssyncadd.s32 $0xFFFFE000  }
0x126: {  	v3 =	vld [tilespmem:$0x4D00];
	_ =	sdelay $0x7  }
0x127: {  	[tilespmem:v3+s25+$0x0] =	vst.idx.add.f32.msk $0xffff, v2  }
0x128: {  	v3 =	vld [tilespmem:$0x4D10];
	_ =	sdelay $0x7  }
0x129: {  	[tilespmem:v3+s25+$0x0] =	vst.idx.add.f32.msk $0xffff, v2  }
0x12a: {  	v3 =	vld [tilespmem:$0x4D20];
	_ =	sdelay $0x7  }
0x12b: {  	[tilespmem:v3+s25+$0x0] =	vst.idx.add.f32.msk $0xffff, v2  }
0x12c: {  	v3 =	vld [tilespmem:$0x4D30];
	_ =	sdelay $0x7  }
0x12d: {  	[tilespmem:v3+s25+$0x0] =	vst.idx.add.f32.msk $0xffff, v2  }
0x12e: {  	v3 =	vld [tilespmem:$0x4D40];
	_ =	sdelay $0x7  }
0x12f: {  	[tilespmem:v3+s25+$0x0] =	vst.idx.add.f32.msk $0xffff, v2  }
0x130: {  	v3 =	vld [tilespmem:$0x4D50];
	_ =	sdelay $0x7  }
0x131: {  	[tilespmem:v3+s25+$0x0] =	vst.idx.add.f32.msk $0xffff, v2  }
0x132: {  	v3 =	vld [tilespmem:$0x4D60];
	_ =	sdelay $0x7  }
0x133: {  	[tilespmem:v3+s25+$0x0] =	vst.idx.add.f32.msk $0xffff, v2  }
0x134: {  	v3 =	vld [tilespmem:$0x4D70];
	_ =	sdelay $0x7  }
0x135: {  	[tilespmem:v3+s25+$0x0] =	vst.idx.add.f32.msk $0xffff, v2  }
0x136: {  	_ =	swait.ge [sflag:s1], $0x2000  }
0x137: {  	[sflag:s1] =	ssyncset.done $0x0  }
0x138: {  	s12 =	simm.s32 $0x4D00;
	[sflag:s1] =	ssyncadd.s32 $0xFFFFE000  }
0x139: {  	[spmem:s2] =	stream.indirect.scatter.add.bf16 [tilespmem:s29], [sflag:$0x7], $0x40, s12, s22, $0xb8;
	[tilespmem:$0x1F700] =	vst v63  }
0x13a: {  	_ =	swait.ge [sflag:s19], $0x2000  }
0x13b: {  	[sflag:s19] =	ssyncset.done $0x0  }
0x13c: {  	[sflag:s19] =	ssyncadd.s32 $0xFFFFE000  }
0x13d: {  	v3 =	vld [tilespmem:$0x4D80];
	_ =	sdelay $0x7  }
0x13e: {  	[tilespmem:v3+s25+$0x0] =	vst.idx.add.f32.msk $0xffff, v2  }
0x13f: {  	v3 =	vld [tilespmem:$0x4D90];
	_ =	sdelay $0x7  }
0x140: {  	[tilespmem:v3+s25+$0x0] =	vst.idx.add.f32.msk $0xffff, v2  }
0x141: {  	v3 =	vld [tilespmem:$0x4DA0];
	_ =	sdelay $0x7  }
0x142: {  	[tilespmem:v3+s25+$0x0] =	vst.idx.add.f32.msk $0xffff, v2  }
0x143: {  	v3 =	vld [tilespmem:$0x4DB0];
	_ =	sdelay $0x7  }
0x144: {  	[tilespmem:v3+s25+$0x0] =	vst.idx.add.f32.msk $0xffff, v2  }
0x145: {  	v3 =	vld [tilespmem:$0x4DC0];
	_ =	sdelay $0x7  }
0x146: {  	[tilespmem:v3+s25+$0x0] =	vst.idx.add.f32.msk $0xffff, v2  }
0x147: {  	v3 =	vld [tilespmem:$0x4DD0];
	_ =	sdelay $0x7  }
0x148: {  	[tilespmem:v3+s25+$0x0] =	vst.idx.add.f32.msk $0xffff, v2  }
0x149: {  	v3 =	vld [tilespmem:$0x4DE0];
	_ =	sdelay $0x7  }
0x14a: {  	[tilespmem:v3+s25+$0x0] =	vst.idx.add.f32.msk $0xffff, v2  }
0x14b: {  	v3 =	vld [tilespmem:$0x4DF0];
	_ =	sdelay $0x7  }
0x14c: {  	[tilespmem:v3+s25+$0x0] =	vst.idx.add.f32.msk $0xffff, v2  }
0x14d: {  	_ =	swait.ge [sflag:s5], $0x2000  }
0x14e: {  	[sflag:s5] =	ssyncset.done $0x0  }
0x14f: {  	s10 =	simm.s32 $0x4D80;
	[sflag:s5] =	ssyncadd.s32 $0xFFFFE000  }
0x150: {  	[spmem:s2] =	stream.indirect.scatter.add.bf16 [tilespmem:s31], [sflag:$0x7], $0x40, s10, s22, $0xb8;
	[tilespmem:$0x1F700] =	vst v63  }
0x151: {  	_ =	swait.ge [sflag:s19], $0x2000  }
0x152: {  	[sflag:s19] =	ssyncset.done $0x0  }
0x153: {  	[sflag:s19] =	ssyncadd.s32 $0xFFFFE000  }
0x154: {  	v3 =	vld [tilespmem:$0x4E00];
	_ =	sdelay $0x7  }
0x155: {  	[tilespmem:v3+s25+$0x0] =	vst.idx.add.f32.msk $0xffff, v2  }
0x156: {  	v3 =	vld [tilespmem:$0x4E10];
	_ =	sdelay $0x7  }
0x157: {  	[tilespmem:v3+s25+$0x0] =	vst.idx.add.f32.msk $0xffff, v2  }
0x158: {  	v3 =	vld [tilespmem:$0x4E20];
	_ =	sdelay $0x7  }
0x159: {  	[tilespmem:v3+s25+$0x0] =	vst.idx.add.f32.msk $0xffff, v2  }
0x15a: {  	v3 =	vld [tilespmem:$0x4E30];
	_ =	sdelay $0x7  }
0x15b: {  	[tilespmem:v3+s25+$0x0] =	vst.idx.add.f32.msk $0xffff, v2  }
0x15c: {  	v3 =	vld [tilespmem:$0x4E40];
	_ =	sdelay $0x7  }
0x15d: {  	[tilespmem:v3+s25+$0x0] =	vst.idx.add.f32.msk $0xffff, v2  }
0x15e: {  	v3 =	vld [tilespmem:$0x4E50];
	_ =	sdelay $0x7  }
0x15f: {  	[tilespmem:v3+s25+$0x0] =	vst.idx.add.f32.msk $0xffff, v2  }
0x160: {  	v3 =	vld [tilespmem:$0x4E60];
	_ =	sdelay $0x7  }
0x161: {  	[tilespmem:v3+s25+$0x0] =	vst.idx.add.f32.msk $0xffff, v2  }
0x162: {  	v3 =	vld [tilespmem:$0x4E70];
	_ =	sdelay $0x7  }
0x163: {  	[tilespmem:v3+s25+$0x0] =	vst.idx.add.f32.msk $0xffff, v2  }
0x164: {  	_ =	swait.ge [sflag:s6], $0x2000  }
0x165: {  	[sflag:s6] =	ssyncset.done $0x0  }
0x166: {  	s11 =	simm.s32 $0x4E00;
	[sflag:s6] =	ssyncadd.s32 $0xFFFFE000  }
0x167: {  	[spmem:s2] =	stream.indirect.scatter.add.bf16 [tilespmem:s20], [sflag:$0x7], $0x40, s11, s22, $0xb8;
	[tilespmem:$0x1F700] =	vst v63  }
0x168: {  	_ =	swait.ge [sflag:s19], $0x2000  }
0x169: {  	[sflag:s19] =	ssyncset.done $0x0  }
0x16a: {  	[sflag:s19] =	ssyncadd.s32 $0xFFFFE000  }
0x16b: {  	v3 =	vld @!p0 [tilespmem:$0x4E80];
	_ =	sdelay $0x6  }
0x16c: {  	v4 =	vimm.f32 @!p0 $1.000000000e+00;
	s9 =	simm.s32 @!p0 $0x12F00  }
0x16d: {  	[tilespmem:v3+s9+$0x0] =	vst.idx.add.f32.msk @!p0 $0xffff, v4  }
0x16e: {  	v3 =	vld @!p0 [tilespmem:$0x4E90];
	_ =	sdelay $0x7  }
0x16f: {  	[tilespmem:v3+s9+$0x0] =	vst.idx.add.f32.msk @!p0 $0xffff, v4  }
0x170: {  	v3 =	vld @!p0 [tilespmem:$0x4EA0];
	_ =	sdelay $0x7  }
0x171: {  	[tilespmem:v3+s9+$0x0] =	vst.idx.add.f32.msk @!p0 $0xffff, v4  }
0x172: {  	v3 =	vld @!p0 [tilespmem:$0x4EB0];
	_ =	sdelay $0x7  }
0x173: {  	[tilespmem:v3+s9+$0x0] =	vst.idx.add.f32.msk @!p0 $0xffff, v4  }
0x174: {  	v3 =	vld @!p0 [tilespmem:$0x4EC0];
	_ =	sdelay $0x7  }
0x175: {  	[tilespmem:v3+s9+$0x0] =	vst.idx.add.f32.msk @!p0 $0xffff, v4  }
0x176: {  	v3 =	vld @!p0 [tilespmem:$0x4ED0];
	_ =	sdelay $0x7  }
0x177: {  	[tilespmem:v3+s9+$0x0] =	vst.idx.add.f32.msk @!p0 $0xffff, v4  }
0x178: {  	v3 =	vld @!p0 [tilespmem:$0x4EE0];
	_ =	sdelay $0x7  }
0x179: {  	[tilespmem:v3+s9+$0x0] =	vst.idx.add.f32.msk @!p0 $0xffff, v4  }
0x17a: {  	v3 =	vld @!p0 [tilespmem:$0x4EF0];
	_ =	sdelay $0x7  }
0x17b: {  	s10 =	simm.s32 @!p0 $0x2700;
	s11 =	simm.s32 @!p0 $0x4F00;
	[tilespmem:v3+s9+$0x0] =	vst.idx.add.f32.msk @!p0 $0xffff, v4;
	s9 =	simm.s32 @!p0 $0x80  }
0x17c: {  	[tilespmem:s11], [sflag:$0x1] =	stream.indirect.gather @!p0 [hbm4b:s4+s9], $0x40, s10, s9, $0xb8;
	[tilespmem:$0x1F700] =	vst v63  }
0x17d: {  	s10 =	simm.s32 @!p0 $0x1  }
0x17e: {  	_ =	swait.ge @!p0 [sflag:s10], $0x2000  }
0x17f: {  	[sflag:s10] =	ssyncset.done @!p0 $0x0  }
0x180: {  	[sflag:s10] =	ssyncadd.s32 @!p0 $0xFFFFE000;
	s10 =	simm.s32 @!p0 $0x4E80  }
0x181: {  	[spmem:s2] =	stream.indirect.scatter.add.bf16 @!p0 [tilespmem:s11], [sflag:$0x7], $0x40, s10, s9, $0xb8;
	[tilespmem:$0x1F700] =	vst v63  }
0x182: {  	s9 =	simm.s32 @!p0 $0x7  }
0x183: {  	_ =	swait.ge @!p0 [sflag:s9], $0x2000  }
0x184: {  	[sflag:s9] =	ssyncset.done @!p0 $0x0  }
0x185: {  	s12 =	rddreg [dreg:$0x9];
	[sflag:s9] =	ssyncadd.s32 @!p0 $0xFFFFE000  }
0x186: {  	[hbm4b:s12+s3] =	stream.linear.scatter [tilespmem:s25], [sflag:$0x7], $0x7D0, $0x38;
	[tilespmem:$0x1F700] =	vst v63  }
0x187: {  	_ =	swait.ge [sflag:s19], $0x7D0  }
0x188: {  	[sflag:s19] =	ssyncset.done $0x0  }
0x189: {  	s10 =	simm.s32 $0x136D0;
	[sflag:s19] =	ssyncadd.s32 $0xFFFFF830  }
0x18a: {  	[hbm4b:s13+s3] =	stream.linear.scatter [tilespmem:s10], [sflag:$0x7], $0x7D0, $0x38;
	[tilespmem:$0x1F700] =	vst v63  }
0x18b: {  	_ =	swait.ge [sflag:s19], $0x7D0  }
0x18c: {  	[sflag:s19] =	ssyncset.done $0x0  }
0x18d: {  	s11 =	simm.s32 $0x13EA0;
	[sflag:s19] =	ssyncadd.s32 $0xFFFFF830  }
0x18e: {  	[hbm4b:s14+s3] =	stream.linear.scatter [tilespmem:s11], [sflag:$0x7], $0x7D0, $0x38;
	[tilespmem:$0x1F700] =	vst v63  }
0x18f: {  	_ =	swait.ge [sflag:s19], $0x7D0  }
0x190: {  	[sflag:s19] =	ssyncset.done $0x0  }
0x191: {  	s12 =	simm.s32 $0x14670;
	[sflag:s19] =	ssyncadd.s32 $0xFFFFF830  }
0x192: {  	[hbm4b:s15+s3] =	stream.linear.scatter [tilespmem:s12], [sflag:$0x7], $0x7D0, $0x38;
	[tilespmem:$0x1F700] =	vst v63  }
0x193: {  	_ =	swait.ge [sflag:s19], $0x7D0  }
0x194: {  	[sflag:s19] =	ssyncset.done $0x0  }
0x195: {  	s10 =	simm.s32 $0x14E40;
	[sflag:s19] =	ssyncadd.s32 $0xFFFFF830  }
0x196: {  	[hbm4b:s16+s3] =	stream.linear.scatter [tilespmem:s10], [sflag:$0x7], $0x7D0, $0x38;
	[tilespmem:$0x1F700] =	vst v63  }
0x197: {  	s11 =	stileid.u32;
	_ =	swait.ge [sflag:s19], $0x7D0  }
0x198: {  	s8 =	sadd.s32 $0x1, s8;
	s9 =	sshll.u32 s11, $0x6;
	[sflag:s19] =	ssyncset.done $0x0  }
0x199: {  	p1 =	sne.s32 s8, s18;
	s9 =	sor.u32 $0x1C07, s9;
	[sflag:s19] =	ssyncadd.s32 $0xFFFFF830  }
.Ltmp3:
0x19a: {  	s12 =	sshrl.u32 s7, $0x3;
	[bflag:$0x0] =	sbarrier.arrive $0xFFFF;
	(pc) =	sbr.rel @p1 .LBB2_1-.Ltmp3, $4  }
0x19b: {  	[hbm:s17], [sflag:s9] =	dma.local [spmem:s12], $0x1400  }
0x19c: {  	_ =	swait.ge [sflag:s19], $0x1400  }
0x19d: {  	[sflag:s19] =	ssyncset.done $0x0  }
0x19e: {  	[sflag:s19] =	ssyncadd.s32 $0xFFFFEC00  }
0x19f: {  	_ =	sfence.sel $0x180000  }
0x1a0: {  	[bflag:$0x0] =	sbarrier.arrive $0xFFFF  }
0x1a1: {  	_ =	strace $0x90000047  }
0x1a2: {  	s0 =	stileid.u32;
	[bflag:$0x2] =	sbarrier.arrive $0xFFFF  }
0x1a3: {  	p0 =	sne.s32 s0, $0x0;
	s0 =	rddreg [dreg:$0x2]  }
0x1a4: {  	s0 =	sadd.s32 @!p0 $0x100000, s0  }
0x1a5: {  	[sflag:s0] =	ssyncadd.tile.s32 @!p0 $0x1;
	_ =	shalt  }
.Lfunc_end2:
_tile_overlayer_lowered:
.L_overlay_start_2:
0x1a6: {  	(tag) =	ssettag $0x2  }
0x1a7: {  	s0 =	rddreg [dreg:$0x0];
	s2 =	stileid.u32  }
0x1a8: {  	s1 =	rddreg [dreg:$0x1];
	p0 =	sne.s32 s2, $0x0  }
0x1a9: {  	s3 =	rddreg [dreg:$0x2];
	[bflag:$0x3] =	sbarrier.arrive $0xFFFF;
	s2 =	simm.s32 @!p0 $0x1C07  }
0x1aa: {  	[timem:s3], [sflag:s2] =	dma.local @!p0 [hbm:s0], s1  }
0x1ab: {  	s0 =	simm.s32 @!p0 $0x7  }
0x1ac: {  	_ =	swait.ge @!p0 [sflag:s0], s1  }
0x1ad: {  	s1 =	ssub.s32 @!p0 $0x0, s1;
	[sflag:s0] =	ssyncset.done @!p0 $0x0  }
0x1ae: {  	[sflag:s0] =	ssyncadd.s32 @!p0 s1  }
0x1af: {  	[bflag:$0x3] =	sbarrier.arrive $0xFFFF  }
0x1b0: {  	_ =	shalt  }

</sc_bundles>
